<compile_context>
chip_gen: v7x
topology: tpu7x:2x2x1
jax: 0.10.2.dev20260603
libtpu: 0.0.44.dev20260713+nightly
codegen_flags: <defaults>
</compile_context>

<pallas_src>
import jax
import jax.numpy as jnp
from jax import lax
from jax.experimental import pallas as pl
from jax.experimental.pallas import tpu as pltpu
from jax.experimental.pallas import tpu_sc as plsc

_NC = 2
_NS = 16
_NW = _NC * _NS
_LANES = 16

_BATCH = 4
_SEQ = 2048
_D = 1024
_S_SC = 256
_S_TC = _SEQ - _S_SC
_ROWS_PER_W = _S_SC // _NW
_CHW = _ROWS_PER_W * _D
_UNROLL = 8


def _sc_body(x_hbm, t_hbm, o_hbm, tbuf, xbuf, obuf,
             sem_x0, sem_x1, sem_o0, sem_o1):
    wid = lax.axis_index("s") * _NC + lax.axis_index("c")
    row0 = _S_TC + wid * _ROWS_PER_W

    def x_copy(k):
        sem = sem_x0 if (k & 1) == 0 else sem_x1
        return pltpu.make_async_copy(
            x_hbm.at[k, pl.ds(row0, _ROWS_PER_W), :], xbuf.at[k & 1], sem)

    def o_copy(k):
        sem = sem_o0 if (k & 1) == 0 else sem_o1
        return pltpu.make_async_copy(
            obuf.at[k & 1],
            o_hbm.at[k, pl.ds(wid * _ROWS_PER_W, _ROWS_PER_W), :], sem)

    x_copy(0).start()
    pltpu.sync_copy(t_hbm.at[pl.ds(row0, _ROWS_PER_W), :], tbuf)
    for k in range(_BATCH):
        cur = k & 1
        x_copy(k).wait()
        if k + 1 < _BATCH:
            x_copy(k + 1).start()
        if k >= 2:
            o_copy(k - 2).wait()

        @plsc.parallel_loop(0, _CHW, step=_LANES, unroll=_UNROLL)
        def _add(i):
            r = i // _D
            col = i - r * _D
            sl = pl.ds(col, _LANES)
            obuf[cur, r, sl] = xbuf[cur, r, sl] + tbuf[r, sl]

        o_copy(k).start()
    o_copy(_BATCH - 2).wait()
    o_copy(_BATCH - 1).wait()


def _tc_body(x_ref, emb_ref, o_ref):
    o_ref[...] = x_ref[...] + emb_ref[...]


def _merge_body(full_ref, sc_ref, o_ref):
    o_ref[...] = sc_ref[...]


def kernel(x, emb_table):
    batch, seq_len, d_model = x.shape

    sc_call = pl.kernel(
        _sc_body,
        mesh=plsc.VectorSubcoreMesh(core_axis_name="c", subcore_axis_name="s"),
        out_type=jax.ShapeDtypeStruct((batch, _S_SC, d_model), x.dtype),
        compiler_params=pltpu.CompilerParams(use_tc_tiling_on_sc=True),
        scratch_types=[
            pltpu.VMEM((_ROWS_PER_W, _D), jnp.float32),
            pltpu.VMEM((2, _ROWS_PER_W, _D), jnp.float32),
            pltpu.VMEM((2, _ROWS_PER_W, _D), jnp.float32),
            pltpu.SemaphoreType.DMA,
            pltpu.SemaphoreType.DMA,
            pltpu.SemaphoreType.DMA,
            pltpu.SemaphoreType.DMA,
        ],
    )
    sc_out = sc_call(x, emb_table)

    sb = _S_TC // 2
    tc_out = pl.pallas_call(
        _tc_body,
        grid=(2, batch),
        in_specs=[
            pl.BlockSpec((1, sb, d_model), lambda s, b: (b, s, 0)),
            pl.BlockSpec((sb, d_model), lambda s, b: (s, 0)),
        ],
        out_specs=pl.BlockSpec((1, sb, d_model), lambda s, b: (b, s, 0)),
        out_shape=jax.ShapeDtypeStruct(x.shape, x.dtype),
    )(x, emb_table)

    n_mb = _SEQ // _S_SC
    return pl.pallas_call(
        _merge_body,
        grid=(batch,),
        in_specs=[
            pl.BlockSpec(memory_space=pl.ANY),
            pl.BlockSpec((1, _S_SC, d_model), lambda b: (b, 0, 0)),
        ],
        out_specs=pl.BlockSpec((1, _S_SC, d_model), lambda b: (b, n_mb - 1, 0)),
        out_shape=jax.ShapeDtypeStruct(x.shape, x.dtype),
        input_output_aliases={0: 0},
    )(tc_out, sc_out)

# --- scband reference (transcript-rebuilt; emitter-appended) ---
"""Pipeline reference for scband-positional-encoding-7310034338415 (READ-ONLY COPY).

The authoritative reference and input builder live on the scoring server;
editing this copy changes nothing except your own understanding.
"""

import jax, jax.numpy as jnp
import numpy as np

D_MODEL = 1024
NUM_POSITIONS = 2048
BATCH = 4
SEQ_LEN = 2048

def setup_inputs(seed: int = 0) -> dict:
    key = jax.random.key(seed)
    k1, k2 = jax.random.split(key)
    x = jax.random.normal(k1, (BATCH, SEQ_LEN, D_MODEL), dtype=jnp.float32)
    # nn.Embedding default init: N(0, 1)
    emb_table = jax.random.normal(k2, (NUM_POSITIONS, D_MODEL), dtype=jnp.float32)
    return {"x": x, "emb_table": emb_table}

def reference(x, emb_table):
    input_size = x.shape[-2]
    indices_to_embed = jnp.arange(0, input_size, dtype=jnp.int32)
    # batched=True: add positional embeddings broadcast over batch dim
    emb = jnp.take(emb_table, indices_to_embed, axis=0)  # [seq_len, d_model]
    emb_unsq = emb[None, :, :]  # [1, seq_len, d_model]
    return x + emb_unsq

if __name__ == "__main__":
    import jax
    _d = setup_inputs()
    print(jax.jit(kernel)(*tuple(_d.values())))

</pallas_src>

<mosaic_0001>
#map = affine_map<(d0, d1) -> (0, 0, 0)>
#map1 = affine_map<(d0, d1) -> (0, 0)>
module attributes {stable_mosaic.version = 14 : i64} {
  func.func @_sc_body(%arg0: i32, %arg1: i32, %arg2: memref<4x2048x1024xf32, #tpu.memory_space<hbm>>, %arg3: memref<2048x1024xf32, #tpu.memory_space<hbm>>, %arg4: memref<4x256x1024xf32, #tpu.memory_space<hbm>>, %arg5: memref<8x1024xf32, #tpu.memory_space<vmem>>, %arg6: memref<2x8x1024xf32, #tpu.memory_space<vmem>>, %arg7: memref<2x8x1024xf32, #tpu.memory_space<vmem>>, %arg8: memref<!tpu.dma_semaphore, #tpu.memory_space<semaphore_mem>>, %arg9: memref<!tpu.dma_semaphore, #tpu.memory_space<semaphore_mem>>, %arg10: memref<!tpu.dma_semaphore, #tpu.memory_space<semaphore_mem>>, %arg11: memref<!tpu.dma_semaphore, #tpu.memory_space<semaphore_mem>>) attributes {dimension_semantics = [#tpu.dimension_semantics<core_parallel>, #tpu.dimension_semantics<subcore_parallel>], iteration_bounds = array<i64: 2, 16>, scalar_prefetch = 0 : i64, scratch_operands = 7 : i64, tpu.core_type = #tpu.core_type<sc_vector_subcore>, window_params = [{transform_indices = #map}, {transform_indices = #map1}, {transform_indices = #map}]} {
    %mul3A = arith.constant 2 : i32
    %mul3A_0 = arith.muli %arg1, %mul3A : i32
    %add3A = arith.addi %mul3A_0, %arg0 : i32
    %mul3A_1 = arith.constant 8 : i32
    %mul3A_2 = arith.muli %add3A, %mul3A_1 : i32
    %add3A_3 = arith.constant 1792 : i32
    %add3A_4 = arith.addi %add3A_3, %mul3A_2 : i32
    %dma_start3A = arith.constant 0 : i32
    %dma_start3A_5 = arith.constant 0 : i32
    %dma_start3A_6 = arith.constant 0 : i32
    %dma_start3A_7 = arith.constant 0 : i32
    %dma_start3A_8 = tpu.memref_slice %arg6[%dma_start3A_5, %dma_start3A_6, %dma_start3A_7] : memref<2x8x1024xf32, #tpu.memory_space<vmem>> -> memref<1x8x1024xf32, #tpu.memory_space<vmem>>
    %dma_start3A_9 = tpu.memref_squeeze %dma_start3A_8 : memref<1x8x1024xf32, #tpu.memory_space<vmem>> -> memref<8x1024xf32, #tpu.memory_space<vmem>>
    %dma_start3A_10 = arith.constant 0 : i32
    %dma_start3A_11 = tpu.memref_slice %arg2[%dma_start3A, %add3A_4, %dma_start3A_10] : memref<4x2048x1024xf32, #tpu.memory_space<hbm>> -> memref<1x8x1024xf32, #tpu.memory_space<hbm>>
    %dma_start3A_12 = tpu.memref_squeeze %dma_start3A_11 : memref<1x8x1024xf32, #tpu.memory_space<hbm>> -> memref<8x1024xf32, #tpu.memory_space<hbm>>
    %dma_start3A_13 = arith.constant 0 : i32
    %dma_start3A_14 = arith.constant 0 : i32
    %dma_start3A_15 = tpu.memref_slice %arg6[%dma_start3A_5, %dma_start3A_13, %dma_start3A_14] : memref<2x8x1024xf32, #tpu.memory_space<vmem>> -> memref<1x8x1024xf32, #tpu.memory_space<vmem>>
    %dma_start3A_16 = tpu.memref_squeeze %dma_start3A_15 : memref<1x8x1024xf32, #tpu.memory_space<vmem>> -> memref<8x1024xf32, #tpu.memory_space<vmem>>
    %dma_start3A_17 = arith.constant 0 : i32
    %dma_start3A_18 = tpu.memref_slice %arg2[%dma_start3A, %add3A_4, %dma_start3A_17] : memref<4x2048x1024xf32, #tpu.memory_space<hbm>> -> memref<1x8x1024xf32, #tpu.memory_space<hbm>>
    %dma_start3A_19 = tpu.memref_squeeze %dma_start3A_18 : memref<1x8x1024xf32, #tpu.memory_space<hbm>> -> memref<8x1024xf32, #tpu.memory_space<hbm>>
    tpu.enqueue_dma source(%dma_start3A_19 : memref<8x1024xf32, #tpu.memory_space<hbm>>) target(%dma_start3A_16 : memref<8x1024xf32, #tpu.memory_space<vmem>>) target_semaphore(%arg8 : memref<!tpu.dma_semaphore, #tpu.memory_space<semaphore_mem>>)
    "tpu.region"() ({
      %run_scoped3A = tpu.sem_alloc : memref<!tpu.dma_semaphore, #tpu.memory_space<semaphore_mem>>
      %dma_start3A_286 = arith.constant 0 : i32
      %dma_start3A_287 = tpu.memref_slice %arg3[%add3A_4, %dma_start3A_286] : memref<2048x1024xf32, #tpu.memory_space<hbm>> -> memref<8x1024xf32, #tpu.memory_space<hbm>>
      %dma_start3A_288 = arith.constant 0 : i32
      %dma_start3A_289 = tpu.memref_slice %arg3[%add3A_4, %dma_start3A_288] : memref<2048x1024xf32, #tpu.memory_space<hbm>> -> memref<8x1024xf32, #tpu.memory_space<hbm>>
      tpu.enqueue_dma source(%dma_start3A_289 : memref<8x1024xf32, #tpu.memory_space<hbm>>) target(%arg5 : memref<8x1024xf32, #tpu.memory_space<vmem>>) target_semaphore(%run_scoped3A : memref<!tpu.dma_semaphore, #tpu.memory_space<semaphore_mem>>)
      %dma_wait3A_290 = arith.constant 0 : i32
      %dma_wait3A_291 = tpu.memref_slice %arg3[%add3A_4, %dma_wait3A_290] : memref<2048x1024xf32, #tpu.memory_space<hbm>> -> memref<8x1024xf32, #tpu.memory_space<hbm>>
      %dma_wait3A_292 = arith.constant 0 : i32
      %dma_wait3A_293 = tpu.memref_slice %arg3[%add3A_4, %dma_wait3A_292] : memref<2048x1024xf32, #tpu.memory_space<hbm>> -> memref<8x1024xf32, #tpu.memory_space<hbm>>
      tpu.wait_dma2 semaphore(%run_scoped3A : memref<!tpu.dma_semaphore, #tpu.memory_space<semaphore_mem>>) src(%dma_wait3A_293 : memref<8x1024xf32, #tpu.memory_space<hbm>>) dst(%arg5 : memref<8x1024xf32, #tpu.memory_space<vmem>>)
      tpu.yield
    }) : () -> ()
    %dma_wait3A = arith.constant 0 : i32
    %dma_wait3A_20 = arith.constant 0 : i32
    %dma_wait3A_21 = arith.constant 0 : i32
    %dma_wait3A_22 = arith.constant 0 : i32
    %dma_wait3A_23 = tpu.memref_slice %arg6[%dma_wait3A_20, %dma_wait3A_21, %dma_wait3A_22] : memref<2x8x1024xf32, #tpu.memory_space<vmem>> -> memref<1x8x1024xf32, #tpu.memory_space<vmem>>
    %dma_wait3A_24 = tpu.memref_squeeze %dma_wait3A_23 : memref<1x8x1024xf32, #tpu.memory_space<vmem>> -> memref<8x1024xf32, #tpu.memory_space<vmem>>
    %dma_wait3A_25 = arith.constant 0 : i32
    %dma_wait3A_26 = tpu.memref_slice %arg2[%dma_wait3A, %add3A_4, %dma_wait3A_25] : memref<4x2048x1024xf32, #tpu.memory_space<hbm>> -> memref<1x8x1024xf32, #tpu.memory_space<hbm>>
    %dma_wait3A_27 = tpu.memref_squeeze %dma_wait3A_26 : memref<1x8x1024xf32, #tpu.memory_space<hbm>> -> memref<8x1024xf32, #tpu.memory_space<hbm>>
    %dma_wait3A_28 = arith.constant 0 : i32
    %dma_wait3A_29 = arith.constant 0 : i32
    %dma_wait3A_30 = tpu.memref_slice %arg6[%dma_wait3A_20, %dma_wait3A_28, %dma_wait3A_29] : memref<2x8x1024xf32, #tpu.memory_space<vmem>> -> memref<1x8x1024xf32, #tpu.memory_space<vmem>>
    %dma_wait3A_31 = tpu.memref_squeeze %dma_wait3A_30 : memref<1x8x1024xf32, #tpu.memory_space<vmem>> -> memref<8x1024xf32, #tpu.memory_space<vmem>>
    %dma_wait3A_32 = arith.constant 0 : i32
    %dma_wait3A_33 = tpu.memref_slice %arg2[%dma_wait3A, %add3A_4, %dma_wait3A_32] : memref<4x2048x1024xf32, #tpu.memory_space<hbm>> -> memref<1x8x1024xf32, #tpu.memory_space<hbm>>
    %dma_wait3A_34 = tpu.memref_squeeze %dma_wait3A_33 : memref<1x8x1024xf32, #tpu.memory_space<hbm>> -> memref<8x1024xf32, #tpu.memory_space<hbm>>
    tpu.wait_dma2 semaphore(%arg8 : memref<!tpu.dma_semaphore, #tpu.memory_space<semaphore_mem>>) src(%dma_wait3A_34 : memref<8x1024xf32, #tpu.memory_space<hbm>>) dst(%dma_wait3A_31 : memref<8x1024xf32, #tpu.memory_space<vmem>>)
    %dma_start3A_35 = arith.constant 1 : i32
    %dma_start3A_36 = arith.constant 1 : i32
    %dma_start3A_37 = arith.constant 0 : i32
    %dma_start3A_38 = arith.constant 0 : i32
    %dma_start3A_39 = tpu.memref_slice %arg6[%dma_start3A_36, %dma_start3A_37, %dma_start3A_38] : memref<2x8x1024xf32, #tpu.memory_space<vmem>> -> memref<1x8x1024xf32, #tpu.memory_space<vmem>>
    %dma_start3A_40 = tpu.memref_squeeze %dma_start3A_39 : memref<1x8x1024xf32, #tpu.memory_space<vmem>> -> memref<8x1024xf32, #tpu.memory_space<vmem>>
    %dma_start3A_41 = arith.constant 0 : i32
    %dma_start3A_42 = tpu.memref_slice %arg2[%dma_start3A_35, %add3A_4, %dma_start3A_41] : memref<4x2048x1024xf32, #tpu.memory_space<hbm>> -> memref<1x8x1024xf32, #tpu.memory_space<hbm>>
    %dma_start3A_43 = tpu.memref_squeeze %dma_start3A_42 : memref<1x8x1024xf32, #tpu.memory_space<hbm>> -> memref<8x1024xf32, #tpu.memory_space<hbm>>
    %dma_start3A_44 = arith.constant 0 : i32
    %dma_start3A_45 = arith.constant 0 : i32
    %dma_start3A_46 = tpu.memref_slice %arg6[%dma_start3A_36, %dma_start3A_44, %dma_start3A_45] : memref<2x8x1024xf32, #tpu.memory_space<vmem>> -> memref<1x8x1024xf32, #tpu.memory_space<vmem>>
    %dma_start3A_47 = tpu.memref_squeeze %dma_start3A_46 : memref<1x8x1024xf32, #tpu.memory_space<vmem>> -> memref<8x1024xf32, #tpu.memory_space<vmem>>
    %dma_start3A_48 = arith.constant 0 : i32
    %dma_start3A_49 = tpu.memref_slice %arg2[%dma_start3A_35, %add3A_4, %dma_start3A_48] : memref<4x2048x1024xf32, #tpu.memory_space<hbm>> -> memref<1x8x1024xf32, #tpu.memory_space<hbm>>
    %dma_start3A_50 = tpu.memref_squeeze %dma_start3A_49 : memref<1x8x1024xf32, #tpu.memory_space<hbm>> -> memref<8x1024xf32, #tpu.memory_space<hbm>>
    tpu.enqueue_dma source(%dma_start3A_50 : memref<8x1024xf32, #tpu.memory_space<hbm>>) target(%dma_start3A_47 : memref<8x1024xf32, #tpu.memory_space<vmem>>) target_semaphore(%arg9 : memref<!tpu.dma_semaphore, #tpu.memory_space<semaphore_mem>>)
    %parallel_loop3A = arith.constant 0 : i32
    %parallel_loop3A_51 = arith.constant 8192 : i32
    %parallel_loop3A_52 = arith.constant 16 : i32
    scf.for %parallel_loop3A_286 = %parallel_loop3A to %parallel_loop3A_51 step %parallel_loop3A_52  : i32 {
      %parallel_loop3A_287 = arith.constant 1024 : i32
      %parallel_loop3A_288 = arith.divsi %parallel_loop3A_286, %parallel_loop3A_287 : i32
      %parallel_loop3A_289 = arith.constant 0 : i32
      %parallel_loop3A_290 = arith.cmpi sgt, %parallel_loop3A_286, %parallel_loop3A_289 : i32
      %parallel_loop3A_291 = arith.extui %parallel_loop3A_290 : i1 to i32
      %parallel_loop3A_292 = arith.constant 0 : i32
      %parallel_loop3A_293 = arith.cmpi slt, %parallel_loop3A_286, %parallel_loop3A_292 : i32
      %parallel_loop3A_294 = arith.extui %parallel_loop3A_293 : i1 to i32
      %parallel_loop3A_295 = arith.subi %parallel_loop3A_291, %parallel_loop3A_294 : i32
      %parallel_loop3A_296 = arith.constant 0 : i32
      %parallel_loop3A_297 = arith.cmpi sgt, %parallel_loop3A_287, %parallel_loop3A_296 : i32
      %parallel_loop3A_298 = arith.extui %parallel_loop3A_297 : i1 to i32
      %parallel_loop3A_299 = arith.constant 0 : i32
      %parallel_loop3A_300 = arith.cmpi slt, %parallel_loop3A_287, %parallel_loop3A_299 : i32
      %parallel_loop3A_301 = arith.extui %parallel_loop3A_300 : i1 to i32
      %parallel_loop3A_302 = arith.subi %parallel_loop3A_298, %parallel_loop3A_301 : i32
      %parallel_loop3A_303 = arith.cmpi ne, %parallel_loop3A_295, %parallel_loop3A_302 : i32
      %parallel_loop3A_304 = arith.remsi %parallel_loop3A_286, %parallel_loop3A_287 : i32
      %parallel_loop3A_305 = arith.constant 0 : i32
      %parallel_loop3A_306 = arith.cmpi ne, %parallel_loop3A_304, %parallel_loop3A_305 : i32
      %parallel_loop3A_307 = arith.andi %parallel_loop3A_303, %parallel_loop3A_306 : i1
      %parallel_loop3A_308 = arith.constant 1 : i32
      %parallel_loop3A_309 = arith.subi %parallel_loop3A_288, %parallel_loop3A_308 : i32
      %parallel_loop3A_310 = arith.select %parallel_loop3A_307, %parallel_loop3A_309, %parallel_loop3A_288 : i32
      %parallel_loop3A_311 = arith.constant 1024 : i32
      %parallel_loop3A_312 = arith.muli %parallel_loop3A_310, %parallel_loop3A_311 : i32
      %parallel_loop3A_313 = arith.subi %parallel_loop3A_286, %parallel_loop3A_312 : i32
      %parallel_loop3A_314 = arith.constant 0 : i32
      %parallel_loop3A_315 = arith.index_cast %parallel_loop3A_314 : i32 to index
      %parallel_loop3A_316 = arith.index_cast %parallel_loop3A_310 : i32 to index
      %parallel_loop3A_317 = arith.index_cast %parallel_loop3A_313 : i32 to index
      %parallel_loop3A_318 = tpu.vector_load %arg6[%parallel_loop3A_315, %parallel_loop3A_316, %parallel_loop3A_317] {strides = array<i32>} : memref<2x8x1024xf32, #tpu.memory_space<vmem>>, vector<1x1x16xf32>,
      %parallel_loop3A_319 = vector.shape_cast %parallel_loop3A_318 : vector<1x1x16xf32> to vector<16xf32>
      %parallel_loop3A_320 = arith.index_cast %parallel_loop3A_310 : i32 to index
      %parallel_loop3A_321 = arith.index_cast %parallel_loop3A_313 : i32 to index
      %parallel_loop3A_322 = tpu.vector_load %arg5[%parallel_loop3A_320, %parallel_loop3A_321] {strides = array<i32>} : memref<8x1024xf32, #tpu.memory_space<vmem>>, vector<1x16xf32>,
      %parallel_loop3A_323 = vector.shape_cast %parallel_loop3A_322 : vector<1x16xf32> to vector<16xf32>
      %parallel_loop3A_324 = arith.addf %parallel_loop3A_319, %parallel_loop3A_323 : vector<16xf32>
      %parallel_loop3A_325 = arith.constant 0 : i32
      %parallel_loop3A_326 = arith.index_cast %parallel_loop3A_325 : i32 to index
      %parallel_loop3A_327 = arith.index_cast %parallel_loop3A_310 : i32 to index
      %parallel_loop3A_328 = arith.index_cast %parallel_loop3A_313 : i32 to index
      %parallel_loop3A_329 = tpu.vector_load %arg7[%parallel_loop3A_326, %parallel_loop3A_327, %parallel_loop3A_328] {strides = array<i32>} : memref<2x8x1024xf32, #tpu.memory_space<vmem>>, vector<1x1x16xf32>,
      %parallel_loop3A_330 = vector.shape_cast %parallel_loop3A_329 : vector<1x1x16xf32> to vector<16xf32>
      %parallel_loop3A_331 = vector.shape_cast %parallel_loop3A_324 : vector<16xf32> to vector<1x1x16xf32>
      tpu.vector_store %arg7[%parallel_loop3A_326, %parallel_loop3A_327, %parallel_loop3A_328], %parallel_loop3A_331 {strides = array<i32>} : memref<2x8x1024xf32, #tpu.memory_space<vmem>>, vector<1x1x16xf32>,
    } {sc.loop_unroll_factor = 8 : i64, sc.parallel_access}
    %mul3A_53 = arith.constant 8 : i32
    %mul3A_54 = arith.muli %add3A, %mul3A_53 : i32
    %dma_start3A_55 = arith.constant 0 : i32
    %dma_start3A_56 = arith.constant 0 : i32
    %dma_start3A_57 = arith.constant 0 : i32
    %dma_start3A_58 = arith.constant 0 : i32
    %dma_start3A_59 = tpu.memref_slice %arg7[%dma_start3A_55, %dma_start3A_57, %dma_start3A_58] : memref<2x8x1024xf32, #tpu.memory_space<vmem>> -> memref<1x8x1024xf32, #tpu.memory_space<vmem>>
    %dma_start3A_60 = tpu.memref_squeeze %dma_start3A_59 : memref<1x8x1024xf32, #tpu.memory_space<vmem>> -> memref<8x1024xf32, #tpu.memory_space<vmem>>
    %dma_start3A_61 = arith.constant 0 : i32
    %dma_start3A_62 = tpu.memref_slice %arg4[%dma_start3A_56, %mul3A_54, %dma_start3A_61] : memref<4x256x1024xf32, #tpu.memory_space<hbm>> -> memref<1x8x1024xf32, #tpu.memory_space<hbm>>
    %dma_start3A_63 = tpu.memref_squeeze %dma_start3A_62 : memref<1x8x1024xf32, #tpu.memory_space<hbm>> -> memref<8x1024xf32, #tpu.memory_space<hbm>>
    %dma_start3A_64 = arith.constant 0 : i32
    %dma_start3A_65 = tpu.memref_slice %arg4[%dma_start3A_56, %mul3A_54, %dma_start3A_64] : memref<4x256x1024xf32, #tpu.memory_space<hbm>> -> memref<1x8x1024xf32, #tpu.memory_space<hbm>>
    %dma_start3A_66 = tpu.memref_squeeze %dma_start3A_65 : memref<1x8x1024xf32, #tpu.memory_space<hbm>> -> memref<8x1024xf32, #tpu.memory_space<hbm>>
    %dma_start3A_67 = arith.constant 0 : i32
    %dma_start3A_68 = arith.constant 0 : i32
    %dma_start3A_69 = tpu.memref_slice %arg7[%dma_start3A_55, %dma_start3A_67, %dma_start3A_68] : memref<2x8x1024xf32, #tpu.memory_space<vmem>> -> memref<1x8x1024xf32, #tpu.memory_space<vmem>>
    %dma_start3A_70 = tpu.memref_squeeze %dma_start3A_69 : memref<1x8x1024xf32, #tpu.memory_space<vmem>> -> memref<8x1024xf32, #tpu.memory_space<vmem>>
    tpu.enqueue_dma source(%dma_start3A_70 : memref<8x1024xf32, #tpu.memory_space<vmem>>) target(%dma_start3A_66 : memref<8x1024xf32, #tpu.memory_space<hbm>>) target_semaphore(%arg10 : memref<!tpu.dma_semaphore, #tpu.memory_space<semaphore_mem>>)
    %dma_wait3A_71 = arith.constant 1 : i32
    %dma_wait3A_72 = arith.constant 1 : i32
    %dma_wait3A_73 = arith.constant 0 : i32
    %dma_wait3A_74 = arith.constant 0 : i32
    %dma_wait3A_75 = tpu.memref_slice %arg6[%dma_wait3A_72, %dma_wait3A_73, %dma_wait3A_74] : memref<2x8x1024xf32, #tpu.memory_space<vmem>> -> memref<1x8x1024xf32, #tpu.memory_space<vmem>>
    %dma_wait3A_76 = tpu.memref_squeeze %dma_wait3A_75 : memref<1x8x1024xf32, #tpu.memory_space<vmem>> -> memref<8x1024xf32, #tpu.memory_space<vmem>>
    %dma_wait3A_77 = arith.constant 0 : i32
    %dma_wait3A_78 = tpu.memref_slice %arg2[%dma_wait3A_71, %add3A_4, %dma_wait3A_77] : memref<4x2048x1024xf32, #tpu.memory_space<hbm>> -> memref<1x8x1024xf32, #tpu.memory_space<hbm>>
    %dma_wait3A_79 = tpu.memref_squeeze %dma_wait3A_78 : memref<1x8x1024xf32, #tpu.memory_space<hbm>> -> memref<8x1024xf32, #tpu.memory_space<hbm>>
    %dma_wait3A_80 = arith.constant 0 : i32
    %dma_wait3A_81 = arith.constant 0 : i32
    %dma_wait3A_82 = tpu.memref_slice %arg6[%dma_wait3A_72, %dma_wait3A_80, %dma_wait3A_81] : memref<2x8x1024xf32, #tpu.memory_space<vmem>> -> memref<1x8x1024xf32, #tpu.memory_space<vmem>>
    %dma_wait3A_83 = tpu.memref_squeeze %dma_wait3A_82 : memref<1x8x1024xf32, #tpu.memory_space<vmem>> -> memref<8x1024xf32, #tpu.memory_space<vmem>>
    %dma_wait3A_84 = arith.constant 0 : i32
    %dma_wait3A_85 = tpu.memref_slice %arg2[%dma_wait3A_71, %add3A_4, %dma_wait3A_84] : memref<4x2048x1024xf32, #tpu.memory_space<hbm>> -> memref<1x8x1024xf32, #tpu.memory_space<hbm>>
    %dma_wait3A_86 = tpu.memref_squeeze %dma_wait3A_85 : memref<1x8x1024xf32, #tpu.memory_space<hbm>> -> memref<8x1024xf32, #tpu.memory_space<hbm>>
    tpu.wait_dma2 semaphore(%arg9 : memref<!tpu.dma_semaphore, #tpu.memory_space<semaphore_mem>>) src(%dma_wait3A_86 : memref<8x1024xf32, #tpu.memory_space<hbm>>) dst(%dma_wait3A_83 : memref<8x1024xf32, #tpu.memory_space<vmem>>)
    %dma_start3A_87 = arith.constant 2 : i32
    %dma_start3A_88 = arith.constant 0 : i32
    %dma_start3A_89 = arith.constant 0 : i32
    %dma_start3A_90 = arith.constant 0 : i32
    %dma_start3A_91 = tpu.memref_slice %arg6[%dma_start3A_88, %dma_start3A_89, %dma_start3A_90] : memref<2x8x1024xf32, #tpu.memory_space<vmem>> -> memref<1x8x1024xf32, #tpu.memory_space<vmem>>
    %dma_start3A_92 = tpu.memref_squeeze %dma_start3A_91 : memref<1x8x1024xf32, #tpu.memory_space<vmem>> -> memref<8x1024xf32, #tpu.memory_space<vmem>>
    %dma_start3A_93 = arith.constant 0 : i32
    %dma_start3A_94 = tpu.memref_slice %arg2[%dma_start3A_87, %add3A_4, %dma_start3A_93] : memref<4x2048x1024xf32, #tpu.memory_space<hbm>> -> memref<1x8x1024xf32, #tpu.memory_space<hbm>>
    %dma_start3A_95 = tpu.memref_squeeze %dma_start3A_94 : memref<1x8x1024xf32, #tpu.memory_space<hbm>> -> memref<8x1024xf32, #tpu.memory_space<hbm>>
    %dma_start3A_96 = arith.constant 0 : i32
    %dma_start3A_97 = arith.constant 0 : i32
    %dma_start3A_98 = tpu.memref_slice %arg6[%dma_start3A_88, %dma_start3A_96, %dma_start3A_97] : memref<2x8x1024xf32, #tpu.memory_space<vmem>> -> memref<1x8x1024xf32, #tpu.memory_space<vmem>>
    %dma_start3A_99 = tpu.memref_squeeze %dma_start3A_98 : memref<1x8x1024xf32, #tpu.memory_space<vmem>> -> memref<8x1024xf32, #tpu.memory_space<vmem>>
    %dma_start3A_100 = arith.constant 0 : i32
    %dma_start3A_101 = tpu.memref_slice %arg2[%dma_start3A_87, %add3A_4, %dma_start3A_100] : memref<4x2048x1024xf32, #tpu.memory_space<hbm>> -> memref<1x8x1024xf32, #tpu.memory_space<hbm>>
    %dma_start3A_102 = tpu.memref_squeeze %dma_start3A_101 : memref<1x8x1024xf32, #tpu.memory_space<hbm>> -> memref<8x1024xf32, #tpu.memory_space<hbm>>
    tpu.enqueue_dma source(%dma_start3A_102 : memref<8x1024xf32, #tpu.memory_space<hbm>>) target(%dma_start3A_99 : memref<8x1024xf32, #tpu.memory_space<vmem>>) target_semaphore(%arg8 : memref<!tpu.dma_semaphore, #tpu.memory_space<semaphore_mem>>)
    %parallel_loop3A_103 = arith.constant 0 : i32
    %parallel_loop3A_104 = arith.constant 8192 : i32
    %parallel_loop3A_105 = arith.constant 16 : i32
    scf.for %parallel_loop3A_286 = %parallel_loop3A_103 to %parallel_loop3A_104 step %parallel_loop3A_105  : i32 {
      %parallel_loop3A_287 = arith.constant 1024 : i32
      %parallel_loop3A_288 = arith.divsi %parallel_loop3A_286, %parallel_loop3A_287 : i32
      %parallel_loop3A_289 = arith.constant 0 : i32
      %parallel_loop3A_290 = arith.cmpi sgt, %parallel_loop3A_286, %parallel_loop3A_289 : i32
      %parallel_loop3A_291 = arith.extui %parallel_loop3A_290 : i1 to i32
      %parallel_loop3A_292 = arith.constant 0 : i32
      %parallel_loop3A_293 = arith.cmpi slt, %parallel_loop3A_286, %parallel_loop3A_292 : i32
      %parallel_loop3A_294 = arith.extui %parallel_loop3A_293 : i1 to i32
      %parallel_loop3A_295 = arith.subi %parallel_loop3A_291, %parallel_loop3A_294 : i32
      %parallel_loop3A_296 = arith.constant 0 : i32
      %parallel_loop3A_297 = arith.cmpi sgt, %parallel_loop3A_287, %parallel_loop3A_296 : i32
      %parallel_loop3A_298 = arith.extui %parallel_loop3A_297 : i1 to i32
      %parallel_loop3A_299 = arith.constant 0 : i32
      %parallel_loop3A_300 = arith.cmpi slt, %parallel_loop3A_287, %parallel_loop3A_299 : i32
      %parallel_loop3A_301 = arith.extui %parallel_loop3A_300 : i1 to i32
      %parallel_loop3A_302 = arith.subi %parallel_loop3A_298, %parallel_loop3A_301 : i32
      %parallel_loop3A_303 = arith.cmpi ne, %parallel_loop3A_295, %parallel_loop3A_302 : i32
      %parallel_loop3A_304 = arith.remsi %parallel_loop3A_286, %parallel_loop3A_287 : i32
      %parallel_loop3A_305 = arith.constant 0 : i32
      %parallel_loop3A_306 = arith.cmpi ne, %parallel_loop3A_304, %parallel_loop3A_305 : i32
      %parallel_loop3A_307 = arith.andi %parallel_loop3A_303, %parallel_loop3A_306 : i1
      %parallel_loop3A_308 = arith.constant 1 : i32
      %parallel_loop3A_309 = arith.subi %parallel_loop3A_288, %parallel_loop3A_308 : i32
      %parallel_loop3A_310 = arith.select %parallel_loop3A_307, %parallel_loop3A_309, %parallel_loop3A_288 : i32
      %parallel_loop3A_311 = arith.constant 1024 : i32
      %parallel_loop3A_312 = arith.muli %parallel_loop3A_310, %parallel_loop3A_311 : i32
      %parallel_loop3A_313 = arith.subi %parallel_loop3A_286, %parallel_loop3A_312 : i32
      %parallel_loop3A_314 = arith.constant 1 : i32
      %parallel_loop3A_315 = arith.index_cast %parallel_loop3A_314 : i32 to index
      %parallel_loop3A_316 = arith.index_cast %parallel_loop3A_310 : i32 to index
      %parallel_loop3A_317 = arith.index_cast %parallel_loop3A_313 : i32 to index
      %parallel_loop3A_318 = tpu.vector_load %arg6[%parallel_loop3A_315, %parallel_loop3A_316, %parallel_loop3A_317] {strides = array<i32>} : memref<2x8x1024xf32, #tpu.memory_space<vmem>>, vector<1x1x16xf32>,
      %parallel_loop3A_319 = vector.shape_cast %parallel_loop3A_318 : vector<1x1x16xf32> to vector<16xf32>
      %parallel_loop3A_320 = arith.index_cast %parallel_loop3A_310 : i32 to index
      %parallel_loop3A_321 = arith.index_cast %parallel_loop3A_313 : i32 to index
      %parallel_loop3A_322 = tpu.vector_load %arg5[%parallel_loop3A_320, %parallel_loop3A_321] {strides = array<i32>} : memref<8x1024xf32, #tpu.memory_space<vmem>>, vector<1x16xf32>,
      %parallel_loop3A_323 = vector.shape_cast %parallel_loop3A_322 : vector<1x16xf32> to vector<16xf32>
      %parallel_loop3A_324 = arith.addf %parallel_loop3A_319, %parallel_loop3A_323 : vector<16xf32>
      %parallel_loop3A_325 = arith.constant 1 : i32
      %parallel_loop3A_326 = arith.index_cast %parallel_loop3A_325 : i32 to index
      %parallel_loop3A_327 = arith.index_cast %parallel_loop3A_310 : i32 to index
      %parallel_loop3A_328 = arith.index_cast %parallel_loop3A_313 : i32 to index
      %parallel_loop3A_329 = tpu.vector_load %arg7[%parallel_loop3A_326, %parallel_loop3A_327, %parallel_loop3A_328] {strides = array<i32>} : memref<2x8x1024xf32, #tpu.memory_space<vmem>>, vector<1x1x16xf32>,
      %parallel_loop3A_330 = vector.shape_cast %parallel_loop3A_329 : vector<1x1x16xf32> to vector<16xf32>
      %parallel_loop3A_331 = vector.shape_cast %parallel_loop3A_324 : vector<16xf32> to vector<1x1x16xf32>
      tpu.vector_store %arg7[%parallel_loop3A_326, %parallel_loop3A_327, %parallel_loop3A_328], %parallel_loop3A_331 {strides = array<i32>} : memref<2x8x1024xf32, #tpu.memory_space<vmem>>, vector<1x1x16xf32>,
    } {sc.loop_unroll_factor = 8 : i64, sc.parallel_access}
    %mul3A_106 = arith.constant 8 : i32
    %mul3A_107 = arith.muli %add3A, %mul3A_106 : i32
    %dma_start3A_108 = arith.constant 1 : i32
    %dma_start3A_109 = arith.constant 1 : i32
    %dma_start3A_110 = arith.constant 0 : i32
    %dma_start3A_111 = arith.constant 0 : i32
    %dma_start3A_112 = tpu.memref_slice %arg7[%dma_start3A_108, %dma_start3A_110, %dma_start3A_111] : memref<2x8x1024xf32, #tpu.memory_space<vmem>> -> memref<1x8x1024xf32, #tpu.memory_space<vmem>>
    %dma_start3A_113 = tpu.memref_squeeze %dma_start3A_112 : memref<1x8x1024xf32, #tpu.memory_space<vmem>> -> memref<8x1024xf32, #tpu.memory_space<vmem>>
    %dma_start3A_114 = arith.constant 0 : i32
    %dma_start3A_115 = tpu.memref_slice %arg4[%dma_start3A_109, %mul3A_107, %dma_start3A_114] : memref<4x256x1024xf32, #tpu.memory_space<hbm>> -> memref<1x8x1024xf32, #tpu.memory_space<hbm>>
    %dma_start3A_116 = tpu.memref_squeeze %dma_start3A_115 : memref<1x8x1024xf32, #tpu.memory_space<hbm>> -> memref<8x1024xf32, #tpu.memory_space<hbm>>
    %dma_start3A_117 = arith.constant 0 : i32
    %dma_start3A_118 = tpu.memref_slice %arg4[%dma_start3A_109, %mul3A_107, %dma_start3A_117] : memref<4x256x1024xf32, #tpu.memory_space<hbm>> -> memref<1x8x1024xf32, #tpu.memory_space<hbm>>
    %dma_start3A_119 = tpu.memref_squeeze %dma_start3A_118 : memref<1x8x1024xf32, #tpu.memory_space<hbm>> -> memref<8x1024xf32, #tpu.memory_space<hbm>>
    %dma_start3A_120 = arith.constant 0 : i32
    %dma_start3A_121 = arith.constant 0 : i32
    %dma_start3A_122 = tpu.memref_slice %arg7[%dma_start3A_108, %dma_start3A_120, %dma_start3A_121] : memref<2x8x1024xf32, #tpu.memory_space<vmem>> -> memref<1x8x1024xf32, #tpu.memory_space<vmem>>
    %dma_start3A_123 = tpu.memref_squeeze %dma_start3A_122 : memref<1x8x1024xf32, #tpu.memory_space<vmem>> -> memref<8x1024xf32, #tpu.memory_space<vmem>>
    tpu.enqueue_dma source(%dma_start3A_123 : memref<8x1024xf32, #tpu.memory_space<vmem>>) target(%dma_start3A_119 : memref<8x1024xf32, #tpu.memory_space<hbm>>) target_semaphore(%arg11 : memref<!tpu.dma_semaphore, #tpu.memory_space<semaphore_mem>>)
    %dma_wait3A_124 = arith.constant 2 : i32
    %dma_wait3A_125 = arith.constant 0 : i32
    %dma_wait3A_126 = arith.constant 0 : i32
    %dma_wait3A_127 = arith.constant 0 : i32
    %dma_wait3A_128 = tpu.memref_slice %arg6[%dma_wait3A_125, %dma_wait3A_126, %dma_wait3A_127] : memref<2x8x1024xf32, #tpu.memory_space<vmem>> -> memref<1x8x1024xf32, #tpu.memory_space<vmem>>
    %dma_wait3A_129 = tpu.memref_squeeze %dma_wait3A_128 : memref<1x8x1024xf32, #tpu.memory_space<vmem>> -> memref<8x1024xf32, #tpu.memory_space<vmem>>
    %dma_wait3A_130 = arith.constant 0 : i32
    %dma_wait3A_131 = tpu.memref_slice %arg2[%dma_wait3A_124, %add3A_4, %dma_wait3A_130] : memref<4x2048x1024xf32, #tpu.memory_space<hbm>> -> memref<1x8x1024xf32, #tpu.memory_space<hbm>>
    %dma_wait3A_132 = tpu.memref_squeeze %dma_wait3A_131 : memref<1x8x1024xf32, #tpu.memory_space<hbm>> -> memref<8x1024xf32, #tpu.memory_space<hbm>>
    %dma_wait3A_133 = arith.constant 0 : i32
    %dma_wait3A_134 = arith.constant 0 : i32
    %dma_wait3A_135 = tpu.memref_slice %arg6[%dma_wait3A_125, %dma_wait3A_133, %dma_wait3A_134] : memref<2x8x1024xf32, #tpu.memory_space<vmem>> -> memref<1x8x1024xf32, #tpu.memory_space<vmem>>
    %dma_wait3A_136 = tpu.memref_squeeze %dma_wait3A_135 : memref<1x8x1024xf32, #tpu.memory_space<vmem>> -> memref<8x1024xf32, #tpu.memory_space<vmem>>
    %dma_wait3A_137 = arith.constant 0 : i32
    %dma_wait3A_138 = tpu.memref_slice %arg2[%dma_wait3A_124, %add3A_4, %dma_wait3A_137] : memref<4x2048x1024xf32, #tpu.memory_space<hbm>> -> memref<1x8x1024xf32, #tpu.memory_space<hbm>>
    %dma_wait3A_139 = tpu.memref_squeeze %dma_wait3A_138 : memref<1x8x1024xf32, #tpu.memory_space<hbm>> -> memref<8x1024xf32, #tpu.memory_space<hbm>>
    tpu.wait_dma2 semaphore(%arg8 : memref<!tpu.dma_semaphore, #tpu.memory_space<semaphore_mem>>) src(%dma_wait3A_139 : memref<8x1024xf32, #tpu.memory_space<hbm>>) dst(%dma_wait3A_136 : memref<8x1024xf32, #tpu.memory_space<vmem>>)
    %dma_start3A_140 = arith.constant 3 : i32
    %dma_start3A_141 = arith.constant 1 : i32
    %dma_start3A_142 = arith.constant 0 : i32
    %dma_start3A_143 = arith.constant 0 : i32
    %dma_start3A_144 = tpu.memref_slice %arg6[%dma_start3A_141, %dma_start3A_142, %dma_start3A_143] : memref<2x8x1024xf32, #tpu.memory_space<vmem>> -> memref<1x8x1024xf32, #tpu.memory_space<vmem>>
    %dma_start3A_145 = tpu.memref_squeeze %dma_start3A_144 : memref<1x8x1024xf32, #tpu.memory_space<vmem>> -> memref<8x1024xf32, #tpu.memory_space<vmem>>
    %dma_start3A_146 = arith.constant 0 : i32
    %dma_start3A_147 = tpu.memref_slice %arg2[%dma_start3A_140, %add3A_4, %dma_start3A_146] : memref<4x2048x1024xf32, #tpu.memory_space<hbm>> -> memref<1x8x1024xf32, #tpu.memory_space<hbm>>
    %dma_start3A_148 = tpu.memref_squeeze %dma_start3A_147 : memref<1x8x1024xf32, #tpu.memory_space<hbm>> -> memref<8x1024xf32, #tpu.memory_space<hbm>>
    %dma_start3A_149 = arith.constant 0 : i32
    %dma_start3A_150 = arith.constant 0 : i32
    %dma_start3A_151 = tpu.memref_slice %arg6[%dma_start3A_141, %dma_start3A_149, %dma_start3A_150] : memref<2x8x1024xf32, #tpu.memory_space<vmem>> -> memref<1x8x1024xf32, #tpu.memory_space<vmem>>
    %dma_start3A_152 = tpu.memref_squeeze %dma_start3A_151 : memref<1x8x1024xf32, #tpu.memory_space<vmem>> -> memref<8x1024xf32, #tpu.memory_space<vmem>>
    %dma_start3A_153 = arith.constant 0 : i32
    %dma_start3A_154 = tpu.memref_slice %arg2[%dma_start3A_140, %add3A_4, %dma_start3A_153] : memref<4x2048x1024xf32, #tpu.memory_space<hbm>> -> memref<1x8x1024xf32, #tpu.memory_space<hbm>>
    %dma_start3A_155 = tpu.memref_squeeze %dma_start3A_154 : memref<1x8x1024xf32, #tpu.memory_space<hbm>> -> memref<8x1024xf32, #tpu.memory_space<hbm>>
    tpu.enqueue_dma source(%dma_start3A_155 : memref<8x1024xf32, #tpu.memory_space<hbm>>) target(%dma_start3A_152 : memref<8x1024xf32, #tpu.memory_space<vmem>>) target_semaphore(%arg9 : memref<!tpu.dma_semaphore, #tpu.memory_space<semaphore_mem>>)
    %mul3A_156 = arith.constant 8 : i32
    %mul3A_157 = arith.muli %add3A, %mul3A_156 : i32
    %dma_wait3A_158 = arith.constant 0 : i32
    %dma_wait3A_159 = arith.constant 0 : i32
    %dma_wait3A_160 = arith.constant 0 : i32
    %dma_wait3A_161 = arith.constant 0 : i32
    %dma_wait3A_162 = tpu.memref_slice %arg7[%dma_wait3A_158, %dma_wait3A_160, %dma_wait3A_161] : memref<2x8x1024xf32, #tpu.memory_space<vmem>> -> memref<1x8x1024xf32, #tpu.memory_space<vmem>>
    %dma_wait3A_163 = tpu.memref_squeeze %dma_wait3A_162 : memref<1x8x1024xf32, #tpu.memory_space<vmem>> -> memref<8x1024xf32, #tpu.memory_space<vmem>>
    %dma_wait3A_164 = arith.constant 0 : i32
    %dma_wait3A_165 = tpu.memref_slice %arg4[%dma_wait3A_159, %mul3A_157, %dma_wait3A_164] : memref<4x256x1024xf32, #tpu.memory_space<hbm>> -> memref<1x8x1024xf32, #tpu.memory_space<hbm>>
    %dma_wait3A_166 = tpu.memref_squeeze %dma_wait3A_165 : memref<1x8x1024xf32, #tpu.memory_space<hbm>> -> memref<8x1024xf32, #tpu.memory_space<hbm>>
    %dma_wait3A_167 = arith.constant 0 : i32
    %dma_wait3A_168 = tpu.memref_slice %arg4[%dma_wait3A_159, %mul3A_157, %dma_wait3A_167] : memref<4x256x1024xf32, #tpu.memory_space<hbm>> -> memref<1x8x1024xf32, #tpu.memory_space<hbm>>
    %dma_wait3A_169 = tpu.memref_squeeze %dma_wait3A_168 : memref<1x8x1024xf32, #tpu.memory_space<hbm>> -> memref<8x1024xf32, #tpu.memory_space<hbm>>
    %dma_wait3A_170 = arith.constant 0 : i32
    %dma_wait3A_171 = arith.constant 0 : i32
    %dma_wait3A_172 = tpu.memref_slice %arg7[%dma_wait3A_158, %dma_wait3A_170, %dma_wait3A_171] : memref<2x8x1024xf32, #tpu.memory_space<vmem>> -> memref<1x8x1024xf32, #tpu.memory_space<vmem>>
    %dma_wait3A_173 = tpu.memref_squeeze %dma_wait3A_172 : memref<1x8x1024xf32, #tpu.memory_space<vmem>> -> memref<8x1024xf32, #tpu.memory_space<vmem>>
    tpu.wait_dma2 semaphore(%arg10 : memref<!tpu.dma_semaphore, #tpu.memory_space<semaphore_mem>>) src(%dma_wait3A_173 : memref<8x1024xf32, #tpu.memory_space<vmem>>) dst(%dma_wait3A_169 : memref<8x1024xf32, #tpu.memory_space<hbm>>)
    %parallel_loop3A_174 = arith.constant 0 : i32
    %parallel_loop3A_175 = arith.constant 8192 : i32
    %parallel_loop3A_176 = arith.constant 16 : i32
    scf.for %parallel_loop3A_286 = %parallel_loop3A_174 to %parallel_loop3A_175 step %parallel_loop3A_176  : i32 {
      %parallel_loop3A_287 = arith.constant 1024 : i32
      %parallel_loop3A_288 = arith.divsi %parallel_loop3A_286, %parallel_loop3A_287 : i32
      %parallel_loop3A_289 = arith.constant 0 : i32
      %parallel_loop3A_290 = arith.cmpi sgt, %parallel_loop3A_286, %parallel_loop3A_289 : i32
      %parallel_loop3A_291 = arith.extui %parallel_loop3A_290 : i1 to i32
      %parallel_loop3A_292 = arith.constant 0 : i32
      %parallel_loop3A_293 = arith.cmpi slt, %parallel_loop3A_286, %parallel_loop3A_292 : i32
      %parallel_loop3A_294 = arith.extui %parallel_loop3A_293 : i1 to i32
      %parallel_loop3A_295 = arith.subi %parallel_loop3A_291, %parallel_loop3A_294 : i32
      %parallel_loop3A_296 = arith.constant 0 : i32
      %parallel_loop3A_297 = arith.cmpi sgt, %parallel_loop3A_287, %parallel_loop3A_296 : i32
      %parallel_loop3A_298 = arith.extui %parallel_loop3A_297 : i1 to i32
      %parallel_loop3A_299 = arith.constant 0 : i32
      %parallel_loop3A_300 = arith.cmpi slt, %parallel_loop3A_287, %parallel_loop3A_299 : i32
      %parallel_loop3A_301 = arith.extui %parallel_loop3A_300 : i1 to i32
      %parallel_loop3A_302 = arith.subi %parallel_loop3A_298, %parallel_loop3A_301 : i32
      %parallel_loop3A_303 = arith.cmpi ne, %parallel_loop3A_295, %parallel_loop3A_302 : i32
      %parallel_loop3A_304 = arith.remsi %parallel_loop3A_286, %parallel_loop3A_287 : i32
      %parallel_loop3A_305 = arith.constant 0 : i32
      %parallel_loop3A_306 = arith.cmpi ne, %parallel_loop3A_304, %parallel_loop3A_305 : i32
      %parallel_loop3A_307 = arith.andi %parallel_loop3A_303, %parallel_loop3A_306 : i1
      %parallel_loop3A_308 = arith.constant 1 : i32
      %parallel_loop3A_309 = arith.subi %parallel_loop3A_288, %parallel_loop3A_308 : i32
      %parallel_loop3A_310 = arith.select %parallel_loop3A_307, %parallel_loop3A_309, %parallel_loop3A_288 : i32
      %parallel_loop3A_311 = arith.constant 1024 : i32
      %parallel_loop3A_312 = arith.muli %parallel_loop3A_310, %parallel_loop3A_311 : i32
      %parallel_loop3A_313 = arith.subi %parallel_loop3A_286, %parallel_loop3A_312 : i32
      %parallel_loop3A_314 = arith.constant 0 : i32
      %parallel_loop3A_315 = arith.index_cast %parallel_loop3A_314 : i32 to index
      %parallel_loop3A_316 = arith.index_cast %parallel_loop3A_310 : i32 to index
      %parallel_loop3A_317 = arith.index_cast %parallel_loop3A_313 : i32 to index
      %parallel_loop3A_318 = tpu.vector_load %arg6[%parallel_loop3A_315, %parallel_loop3A_316, %parallel_loop3A_317] {strides = array<i32>} : memref<2x8x1024xf32, #tpu.memory_space<vmem>>, vector<1x1x16xf32>,
      %parallel_loop3A_319 = vector.shape_cast %parallel_loop3A_318 : vector<1x1x16xf32> to vector<16xf32>
      %parallel_loop3A_320 = arith.index_cast %parallel_loop3A_310 : i32 to index
      %parallel_loop3A_321 = arith.index_cast %parallel_loop3A_313 : i32 to index
      %parallel_loop3A_322 = tpu.vector_load %arg5[%parallel_loop3A_320, %parallel_loop3A_321] {strides = array<i32>} : memref<8x1024xf32, #tpu.memory_space<vmem>>, vector<1x16xf32>,
      %parallel_loop3A_323 = vector.shape_cast %parallel_loop3A_322 : vector<1x16xf32> to vector<16xf32>
      %parallel_loop3A_324 = arith.addf %parallel_loop3A_319, %parallel_loop3A_323 : vector<16xf32>
      %parallel_loop3A_325 = arith.constant 0 : i32
      %parallel_loop3A_326 = arith.index_cast %parallel_loop3A_325 : i32 to index
      %parallel_loop3A_327 = arith.index_cast %parallel_loop3A_310 : i32 to index
      %parallel_loop3A_328 = arith.index_cast %parallel_loop3A_313 : i32 to index
      %parallel_loop3A_329 = tpu.vector_load %arg7[%parallel_loop3A_326, %parallel_loop3A_327, %parallel_loop3A_328] {strides = array<i32>} : memref<2x8x1024xf32, #tpu.memory_space<vmem>>, vector<1x1x16xf32>,
      %parallel_loop3A_330 = vector.shape_cast %parallel_loop3A_329 : vector<1x1x16xf32> to vector<16xf32>
      %parallel_loop3A_331 = vector.shape_cast %parallel_loop3A_324 : vector<16xf32> to vector<1x1x16xf32>
      tpu.vector_store %arg7[%parallel_loop3A_326, %parallel_loop3A_327, %parallel_loop3A_328], %parallel_loop3A_331 {strides = array<i32>} : memref<2x8x1024xf32, #tpu.memory_space<vmem>>, vector<1x1x16xf32>,
    } {sc.loop_unroll_factor = 8 : i64, sc.parallel_access}
    %mul3A_177 = arith.constant 8 : i32
    %mul3A_178 = arith.muli %add3A, %mul3A_177 : i32
    %dma_start3A_179 = arith.constant 0 : i32
    %dma_start3A_180 = arith.constant 2 : i32
    %dma_start3A_181 = arith.constant 0 : i32
    %dma_start3A_182 = arith.constant 0 : i32
    %dma_start3A_183 = tpu.memref_slice %arg7[%dma_start3A_179, %dma_start3A_181, %dma_start3A_182] : memref<2x8x1024xf32, #tpu.memory_space<vmem>> -> memref<1x8x1024xf32, #tpu.memory_space<vmem>>
    %dma_start3A_184 = tpu.memref_squeeze %dma_start3A_183 : memref<1x8x1024xf32, #tpu.memory_space<vmem>> -> memref<8x1024xf32, #tpu.memory_space<vmem>>
    %dma_start3A_185 = arith.constant 0 : i32
    %dma_start3A_186 = tpu.memref_slice %arg4[%dma_start3A_180, %mul3A_178, %dma_start3A_185] : memref<4x256x1024xf32, #tpu.memory_space<hbm>> -> memref<1x8x1024xf32, #tpu.memory_space<hbm>>
    %dma_start3A_187 = tpu.memref_squeeze %dma_start3A_186 : memref<1x8x1024xf32, #tpu.memory_space<hbm>> -> memref<8x1024xf32, #tpu.memory_space<hbm>>
    %dma_start3A_188 = arith.constant 0 : i32
    %dma_start3A_189 = tpu.memref_slice %arg4[%dma_start3A_180, %mul3A_178, %dma_start3A_188] : memref<4x256x1024xf32, #tpu.memory_space<hbm>> -> memref<1x8x1024xf32, #tpu.memory_space<hbm>>
    %dma_start3A_190 = tpu.memref_squeeze %dma_start3A_189 : memref<1x8x1024xf32, #tpu.memory_space<hbm>> -> memref<8x1024xf32, #tpu.memory_space<hbm>>
    %dma_start3A_191 = arith.constant 0 : i32
    %dma_start3A_192 = arith.constant 0 : i32
    %dma_start3A_193 = tpu.memref_slice %arg7[%dma_start3A_179, %dma_start3A_191, %dma_start3A_192] : memref<2x8x1024xf32, #tpu.memory_space<vmem>> -> memref<1x8x1024xf32, #tpu.memory_space<vmem>>
    %dma_start3A_194 = tpu.memref_squeeze %dma_start3A_193 : memref<1x8x1024xf32, #tpu.memory_space<vmem>> -> memref<8x1024xf32, #tpu.memory_space<vmem>>
    tpu.enqueue_dma source(%dma_start3A_194 : memref<8x1024xf32, #tpu.memory_space<vmem>>) target(%dma_start3A_190 : memref<8x1024xf32, #tpu.memory_space<hbm>>) target_semaphore(%arg10 : memref<!tpu.dma_semaphore, #tpu.memory_space<semaphore_mem>>)
    %dma_wait3A_195 = arith.constant 3 : i32
    %dma_wait3A_196 = arith.constant 1 : i32
    %dma_wait3A_197 = arith.constant 0 : i32
    %dma_wait3A_198 = arith.constant 0 : i32
    %dma_wait3A_199 = tpu.memref_slice %arg6[%dma_wait3A_196, %dma_wait3A_197, %dma_wait3A_198] : memref<2x8x1024xf32, #tpu.memory_space<vmem>> -> memref<1x8x1024xf32, #tpu.memory_space<vmem>>
    %dma_wait3A_200 = tpu.memref_squeeze %dma_wait3A_199 : memref<1x8x1024xf32, #tpu.memory_space<vmem>> -> memref<8x1024xf32, #tpu.memory_space<vmem>>
    %dma_wait3A_201 = arith.constant 0 : i32
    %dma_wait3A_202 = tpu.memref_slice %arg2[%dma_wait3A_195, %add3A_4, %dma_wait3A_201] : memref<4x2048x1024xf32, #tpu.memory_space<hbm>> -> memref<1x8x1024xf32, #tpu.memory_space<hbm>>
    %dma_wait3A_203 = tpu.memref_squeeze %dma_wait3A_202 : memref<1x8x1024xf32, #tpu.memory_space<hbm>> -> memref<8x1024xf32, #tpu.memory_space<hbm>>
    %dma_wait3A_204 = arith.constant 0 : i32
    %dma_wait3A_205 = arith.constant 0 : i32
    %dma_wait3A_206 = tpu.memref_slice %arg6[%dma_wait3A_196, %dma_wait3A_204, %dma_wait3A_205] : memref<2x8x1024xf32, #tpu.memory_space<vmem>> -> memref<1x8x1024xf32, #tpu.memory_space<vmem>>
    %dma_wait3A_207 = tpu.memref_squeeze %dma_wait3A_206 : memref<1x8x1024xf32, #tpu.memory_space<vmem>> -> memref<8x1024xf32, #tpu.memory_space<vmem>>
    %dma_wait3A_208 = arith.constant 0 : i32
    %dma_wait3A_209 = tpu.memref_slice %arg2[%dma_wait3A_195, %add3A_4, %dma_wait3A_208] : memref<4x2048x1024xf32, #tpu.memory_space<hbm>> -> memref<1x8x1024xf32, #tpu.memory_space<hbm>>
    %dma_wait3A_210 = tpu.memref_squeeze %dma_wait3A_209 : memref<1x8x1024xf32, #tpu.memory_space<hbm>> -> memref<8x1024xf32, #tpu.memory_space<hbm>>
    tpu.wait_dma2 semaphore(%arg9 : memref<!tpu.dma_semaphore, #tpu.memory_space<semaphore_mem>>) src(%dma_wait3A_210 : memref<8x1024xf32, #tpu.memory_space<hbm>>) dst(%dma_wait3A_207 : memref<8x1024xf32, #tpu.memory_space<vmem>>)
    %mul3A_211 = arith.constant 8 : i32
    %mul3A_212 = arith.muli %add3A, %mul3A_211 : i32
    %dma_wait3A_213 = arith.constant 1 : i32
    %dma_wait3A_214 = arith.constant 1 : i32
    %dma_wait3A_215 = arith.constant 0 : i32
    %dma_wait3A_216 = arith.constant 0 : i32
    %dma_wait3A_217 = tpu.memref_slice %arg7[%dma_wait3A_213, %dma_wait3A_215, %dma_wait3A_216] : memref<2x8x1024xf32, #tpu.memory_space<vmem>> -> memref<1x8x1024xf32, #tpu.memory_space<vmem>>
    %dma_wait3A_218 = tpu.memref_squeeze %dma_wait3A_217 : memref<1x8x1024xf32, #tpu.memory_space<vmem>> -> memref<8x1024xf32, #tpu.memory_space<vmem>>
    %dma_wait3A_219 = arith.constant 0 : i32
    %dma_wait3A_220 = tpu.memref_slice %arg4[%dma_wait3A_214, %mul3A_212, %dma_wait3A_219] : memref<4x256x1024xf32, #tpu.memory_space<hbm>> -> memref<1x8x1024xf32, #tpu.memory_space<hbm>>
    %dma_wait3A_221 = tpu.memref_squeeze %dma_wait3A_220 : memref<1x8x1024xf32, #tpu.memory_space<hbm>> -> memref<8x1024xf32, #tpu.memory_space<hbm>>
    %dma_wait3A_222 = arith.constant 0 : i32
    %dma_wait3A_223 = tpu.memref_slice %arg4[%dma_wait3A_214, %mul3A_212, %dma_wait3A_222] : memref<4x256x1024xf32, #tpu.memory_space<hbm>> -> memref<1x8x1024xf32, #tpu.memory_space<hbm>>
    %dma_wait3A_224 = tpu.memref_squeeze %dma_wait3A_223 : memref<1x8x1024xf32, #tpu.memory_space<hbm>> -> memref<8x1024xf32, #tpu.memory_space<hbm>>
    %dma_wait3A_225 = arith.constant 0 : i32
    %dma_wait3A_226 = arith.constant 0 : i32
    %dma_wait3A_227 = tpu.memref_slice %arg7[%dma_wait3A_213, %dma_wait3A_225, %dma_wait3A_226] : memref<2x8x1024xf32, #tpu.memory_space<vmem>> -> memref<1x8x1024xf32, #tpu.memory_space<vmem>>
    %dma_wait3A_228 = tpu.memref_squeeze %dma_wait3A_227 : memref<1x8x1024xf32, #tpu.memory_space<vmem>> -> memref<8x1024xf32, #tpu.memory_space<vmem>>
    tpu.wait_dma2 semaphore(%arg11 : memref<!tpu.dma_semaphore, #tpu.memory_space<semaphore_mem>>) src(%dma_wait3A_228 : memref<8x1024xf32, #tpu.memory_space<vmem>>) dst(%dma_wait3A_224 : memref<8x1024xf32, #tpu.memory_space<hbm>>)
    %parallel_loop3A_229 = arith.constant 0 : i32
    %parallel_loop3A_230 = arith.constant 8192 : i32
    %parallel_loop3A_231 = arith.constant 16 : i32
    scf.for %parallel_loop3A_286 = %parallel_loop3A_229 to %parallel_loop3A_230 step %parallel_loop3A_231  : i32 {
      %parallel_loop3A_287 = arith.constant 1024 : i32
      %parallel_loop3A_288 = arith.divsi %parallel_loop3A_286, %parallel_loop3A_287 : i32
      %parallel_loop3A_289 = arith.constant 0 : i32
      %parallel_loop3A_290 = arith.cmpi sgt, %parallel_loop3A_286, %parallel_loop3A_289 : i32
      %parallel_loop3A_291 = arith.extui %parallel_loop3A_290 : i1 to i32
      %parallel_loop3A_292 = arith.constant 0 : i32
      %parallel_loop3A_293 = arith.cmpi slt, %parallel_loop3A_286, %parallel_loop3A_292 : i32
      %parallel_loop3A_294 = arith.extui %parallel_loop3A_293 : i1 to i32
      %parallel_loop3A_295 = arith.subi %parallel_loop3A_291, %parallel_loop3A_294 : i32
      %parallel_loop3A_296 = arith.constant 0 : i32
      %parallel_loop3A_297 = arith.cmpi sgt, %parallel_loop3A_287, %parallel_loop3A_296 : i32
      %parallel_loop3A_298 = arith.extui %parallel_loop3A_297 : i1 to i32
      %parallel_loop3A_299 = arith.constant 0 : i32
      %parallel_loop3A_300 = arith.cmpi slt, %parallel_loop3A_287, %parallel_loop3A_299 : i32
      %parallel_loop3A_301 = arith.extui %parallel_loop3A_300 : i1 to i32
      %parallel_loop3A_302 = arith.subi %parallel_loop3A_298, %parallel_loop3A_301 : i32
      %parallel_loop3A_303 = arith.cmpi ne, %parallel_loop3A_295, %parallel_loop3A_302 : i32
      %parallel_loop3A_304 = arith.remsi %parallel_loop3A_286, %parallel_loop3A_287 : i32
      %parallel_loop3A_305 = arith.constant 0 : i32
      %parallel_loop3A_306 = arith.cmpi ne, %parallel_loop3A_304, %parallel_loop3A_305 : i32
      %parallel_loop3A_307 = arith.andi %parallel_loop3A_303, %parallel_loop3A_306 : i1
      %parallel_loop3A_308 = arith.constant 1 : i32
      %parallel_loop3A_309 = arith.subi %parallel_loop3A_288, %parallel_loop3A_308 : i32
      %parallel_loop3A_310 = arith.select %parallel_loop3A_307, %parallel_loop3A_309, %parallel_loop3A_288 : i32
      %parallel_loop3A_311 = arith.constant 1024 : i32
      %parallel_loop3A_312 = arith.muli %parallel_loop3A_310, %parallel_loop3A_311 : i32
      %parallel_loop3A_313 = arith.subi %parallel_loop3A_286, %parallel_loop3A_312 : i32
      %parallel_loop3A_314 = arith.constant 1 : i32
      %parallel_loop3A_315 = arith.index_cast %parallel_loop3A_314 : i32 to index
      %parallel_loop3A_316 = arith.index_cast %parallel_loop3A_310 : i32 to index
      %parallel_loop3A_317 = arith.index_cast %parallel_loop3A_313 : i32 to index
      %parallel_loop3A_318 = tpu.vector_load %arg6[%parallel_loop3A_315, %parallel_loop3A_316, %parallel_loop3A_317] {strides = array<i32>} : memref<2x8x1024xf32, #tpu.memory_space<vmem>>, vector<1x1x16xf32>,
      %parallel_loop3A_319 = vector.shape_cast %parallel_loop3A_318 : vector<1x1x16xf32> to vector<16xf32>
      %parallel_loop3A_320 = arith.index_cast %parallel_loop3A_310 : i32 to index
      %parallel_loop3A_321 = arith.index_cast %parallel_loop3A_313 : i32 to index
      %parallel_loop3A_322 = tpu.vector_load %arg5[%parallel_loop3A_320, %parallel_loop3A_321] {strides = array<i32>} : memref<8x1024xf32, #tpu.memory_space<vmem>>, vector<1x16xf32>,
      %parallel_loop3A_323 = vector.shape_cast %parallel_loop3A_322 : vector<1x16xf32> to vector<16xf32>
      %parallel_loop3A_324 = arith.addf %parallel_loop3A_319, %parallel_loop3A_323 : vector<16xf32>
      %parallel_loop3A_325 = arith.constant 1 : i32
      %parallel_loop3A_326 = arith.index_cast %parallel_loop3A_325 : i32 to index
      %parallel_loop3A_327 = arith.index_cast %parallel_loop3A_310 : i32 to index
      %parallel_loop3A_328 = arith.index_cast %parallel_loop3A_313 : i32 to index
      %parallel_loop3A_329 = tpu.vector_load %arg7[%parallel_loop3A_326, %parallel_loop3A_327, %parallel_loop3A_328] {strides = array<i32>} : memref<2x8x1024xf32, #tpu.memory_space<vmem>>, vector<1x1x16xf32>,
      %parallel_loop3A_330 = vector.shape_cast %parallel_loop3A_329 : vector<1x1x16xf32> to vector<16xf32>
      %parallel_loop3A_331 = vector.shape_cast %parallel_loop3A_324 : vector<16xf32> to vector<1x1x16xf32>
      tpu.vector_store %arg7[%parallel_loop3A_326, %parallel_loop3A_327, %parallel_loop3A_328], %parallel_loop3A_331 {strides = array<i32>} : memref<2x8x1024xf32, #tpu.memory_space<vmem>>, vector<1x1x16xf32>,
    } {sc.loop_unroll_factor = 8 : i64, sc.parallel_access}
    %mul3A_232 = arith.constant 8 : i32
    %mul3A_233 = arith.muli %add3A, %mul3A_232 : i32
    %dma_start3A_234 = arith.constant 1 : i32
    %dma_start3A_235 = arith.constant 3 : i32
    %dma_start3A_236 = arith.constant 0 : i32
    %dma_start3A_237 = arith.constant 0 : i32
    %dma_start3A_238 = tpu.memref_slice %arg7[%dma_start3A_234, %dma_start3A_236, %dma_start3A_237] : memref<2x8x1024xf32, #tpu.memory_space<vmem>> -> memref<1x8x1024xf32, #tpu.memory_space<vmem>>
    %dma_start3A_239 = tpu.memref_squeeze %dma_start3A_238 : memref<1x8x1024xf32, #tpu.memory_space<vmem>> -> memref<8x1024xf32, #tpu.memory_space<vmem>>
    %dma_start3A_240 = arith.constant 0 : i32
    %dma_start3A_241 = tpu.memref_slice %arg4[%dma_start3A_235, %mul3A_233, %dma_start3A_240] : memref<4x256x1024xf32, #tpu.memory_space<hbm>> -> memref<1x8x1024xf32, #tpu.memory_space<hbm>>
    %dma_start3A_242 = tpu.memref_squeeze %dma_start3A_241 : memref<1x8x1024xf32, #tpu.memory_space<hbm>> -> memref<8x1024xf32, #tpu.memory_space<hbm>>
    %dma_start3A_243 = arith.constant 0 : i32
    %dma_start3A_244 = tpu.memref_slice %arg4[%dma_start3A_235, %mul3A_233, %dma_start3A_243] : memref<4x256x1024xf32, #tpu.memory_space<hbm>> -> memref<1x8x1024xf32, #tpu.memory_space<hbm>>
    %dma_start3A_245 = tpu.memref_squeeze %dma_start3A_244 : memref<1x8x1024xf32, #tpu.memory_space<hbm>> -> memref<8x1024xf32, #tpu.memory_space<hbm>>
    %dma_start3A_246 = arith.constant 0 : i32
    %dma_start3A_247 = arith.constant 0 : i32
    %dma_start3A_248 = tpu.memref_slice %arg7[%dma_start3A_234, %dma_start3A_246, %dma_start3A_247] : memref<2x8x1024xf32, #tpu.memory_space<vmem>> -> memref<1x8x1024xf32, #tpu.memory_space<vmem>>
    %dma_start3A_249 = tpu.memref_squeeze %dma_start3A_248 : memref<1x8x1024xf32, #tpu.memory_space<vmem>> -> memref<8x1024xf32, #tpu.memory_space<vmem>>
    tpu.enqueue_dma source(%dma_start3A_249 : memref<8x1024xf32, #tpu.memory_space<vmem>>) target(%dma_start3A_245 : memref<8x1024xf32, #tpu.memory_space<hbm>>) target_semaphore(%arg11 : memref<!tpu.dma_semaphore, #tpu.memory_space<semaphore_mem>>)
    %mul3A_250 = arith.constant 8 : i32
    %mul3A_251 = arith.muli %add3A, %mul3A_250 : i32
    %dma_wait3A_252 = arith.constant 0 : i32
    %dma_wait3A_253 = arith.constant 2 : i32
    %dma_wait3A_254 = arith.constant 0 : i32
    %dma_wait3A_255 = arith.constant 0 : i32
    %dma_wait3A_256 = tpu.memref_slice %arg7[%dma_wait3A_252, %dma_wait3A_254, %dma_wait3A_255] : memref<2x8x1024xf32, #tpu.memory_space<vmem>> -> memref<1x8x1024xf32, #tpu.memory_space<vmem>>
    %dma_wait3A_257 = tpu.memref_squeeze %dma_wait3A_256 : memref<1x8x1024xf32, #tpu.memory_space<vmem>> -> memref<8x1024xf32, #tpu.memory_space<vmem>>
    %dma_wait3A_258 = arith.constant 0 : i32
    %dma_wait3A_259 = tpu.memref_slice %arg4[%dma_wait3A_253, %mul3A_251, %dma_wait3A_258] : memref<4x256x1024xf32, #tpu.memory_space<hbm>> -> memref<1x8x1024xf32, #tpu.memory_space<hbm>>
    %dma_wait3A_260 = tpu.memref_squeeze %dma_wait3A_259 : memref<1x8x1024xf32, #tpu.memory_space<hbm>> -> memref<8x1024xf32, #tpu.memory_space<hbm>>
    %dma_wait3A_261 = arith.constant 0 : i32
    %dma_wait3A_262 = tpu.memref_slice %arg4[%dma_wait3A_253, %mul3A_251, %dma_wait3A_261] : memref<4x256x1024xf32, #tpu.memory_space<hbm>> -> memref<1x8x1024xf32, #tpu.memory_space<hbm>>
    %dma_wait3A_263 = tpu.memref_squeeze %dma_wait3A_262 : memref<1x8x1024xf32, #tpu.memory_space<hbm>> -> memref<8x1024xf32, #tpu.memory_space<hbm>>
    %dma_wait3A_264 = arith.constant 0 : i32
    %dma_wait3A_265 = arith.constant 0 : i32
    %dma_wait3A_266 = tpu.memref_slice %arg7[%dma_wait3A_252, %dma_wait3A_264, %dma_wait3A_265] : memref<2x8x1024xf32, #tpu.memory_space<vmem>> -> memref<1x8x1024xf32, #tpu.memory_space<vmem>>
    %dma_wait3A_267 = tpu.memref_squeeze %dma_wait3A_266 : memref<1x8x1024xf32, #tpu.memory_space<vmem>> -> memref<8x1024xf32, #tpu.memory_space<vmem>>
    tpu.wait_dma2 semaphore(%arg10 : memref<!tpu.dma_semaphore, #tpu.memory_space<semaphore_mem>>) src(%dma_wait3A_267 : memref<8x1024xf32, #tpu.memory_space<vmem>>) dst(%dma_wait3A_263 : memref<8x1024xf32, #tpu.memory_space<hbm>>)
    %mul3A_268 = arith.constant 8 : i32
    %mul3A_269 = arith.muli %add3A, %mul3A_268 : i32
    %dma_wait3A_270 = arith.constant 1 : i32
    %dma_wait3A_271 = arith.constant 3 : i32
    %dma_wait3A_272 = arith.constant 0 : i32
    %dma_wait3A_273 = arith.constant 0 : i32
    %dma_wait3A_274 = tpu.memref_slice %arg7[%dma_wait3A_270, %dma_wait3A_272, %dma_wait3A_273] : memref<2x8x1024xf32, #tpu.memory_space<vmem>> -> memref<1x8x1024xf32, #tpu.memory_space<vmem>>
    %dma_wait3A_275 = tpu.memref_squeeze %dma_wait3A_274 : memref<1x8x1024xf32, #tpu.memory_space<vmem>> -> memref<8x1024xf32, #tpu.memory_space<vmem>>
    %dma_wait3A_276 = arith.constant 0 : i32
    %dma_wait3A_277 = tpu.memref_slice %arg4[%dma_wait3A_271, %mul3A_269, %dma_wait3A_276] : memref<4x256x1024xf32, #tpu.memory_space<hbm>> -> memref<1x8x1024xf32, #tpu.memory_space<hbm>>
    %dma_wait3A_278 = tpu.memref_squeeze %dma_wait3A_277 : memref<1x8x1024xf32, #tpu.memory_space<hbm>> -> memref<8x1024xf32, #tpu.memory_space<hbm>>
    %dma_wait3A_279 = arith.constant 0 : i32
    %dma_wait3A_280 = tpu.memref_slice %arg4[%dma_wait3A_271, %mul3A_269, %dma_wait3A_279] : memref<4x256x1024xf32, #tpu.memory_space<hbm>> -> memref<1x8x1024xf32, #tpu.memory_space<hbm>>
    %dma_wait3A_281 = tpu.memref_squeeze %dma_wait3A_280 : memref<1x8x1024xf32, #tpu.memory_space<hbm>> -> memref<8x1024xf32, #tpu.memory_space<hbm>>
    %dma_wait3A_282 = arith.constant 0 : i32
    %dma_wait3A_283 = arith.constant 0 : i32
    %dma_wait3A_284 = tpu.memref_slice %arg7[%dma_wait3A_270, %dma_wait3A_282, %dma_wait3A_283] : memref<2x8x1024xf32, #tpu.memory_space<vmem>> -> memref<1x8x1024xf32, #tpu.memory_space<vmem>>
    %dma_wait3A_285 = tpu.memref_squeeze %dma_wait3A_284 : memref<1x8x1024xf32, #tpu.memory_space<vmem>> -> memref<8x1024xf32, #tpu.memory_space<vmem>>
    tpu.wait_dma2 semaphore(%arg11 : memref<!tpu.dma_semaphore, #tpu.memory_space<semaphore_mem>>) src(%dma_wait3A_285 : memref<8x1024xf32, #tpu.memory_space<vmem>>) dst(%dma_wait3A_281 : memref<8x1024xf32, #tpu.memory_space<hbm>>)
    return
  }
}

module attributes {stable_mosaic.version = 14 : i64} {
  func.func @_merge_body(%arg0: i32, %arg1: memref<4x2048x1024xf32, #tpu.memory_space<any>>, %arg2: memref<1x256x1024xf32, #tpu.memory_space<vmem>>, %arg3: memref<1x256x1024xf32, #tpu.memory_space<vmem>>) attributes {dimension_semantics = [#tpu.dimension_semantics<arbitrary>], iteration_bounds = array<i64: 4>, scalar_prefetch = 0 : i64, scratch_operands = 0 : i64, tpu.core_type = #tpu.core_type<tc>, window_params = [{}, {transform_indices = @transform_1, window_bounds = array<i64: 1, 256, 1024>}, {transform_indices = @transform_2, window_bounds = array<i64: 1, 256, 1024>}]} {
    %get3A = arith.constant 0 : index
    %get3A_0 = arith.constant 0 : index
    %get3A_1 = arith.constant 0 : index
    %get3A_2 = vector.load %arg2[%get3A, %get3A_0, %get3A_1] : memref<1x256x1024xf32, #tpu.memory_space<vmem>>, vector<1x256x1024xf32>
    %swap3A = arith.constant 0 : index
    %swap3A_3 = arith.constant 0 : index
    %swap3A_4 = arith.constant 0 : index
    %swap3A_5 = vector.load %arg3[%swap3A, %swap3A_3, %swap3A_4] : memref<1x256x1024xf32, #tpu.memory_space<vmem>>, vector<1x256x1024xf32>
    tpu.vector_store %arg3[%swap3A, %swap3A_3, %swap3A_4], %get3A_2 {strides = array<i32>} : memref<1x256x1024xf32, #tpu.memory_space<vmem>>, vector<1x256x1024xf32>,
    return
  }
  func.func @transform_1(%arg0: i32) -> (i32, i32, i32) {
    %c0_i32 = arith.constant 0 : i32
    %c0_i32_0 = arith.constant 0 : i32
    %c0_i32_1 = arith.constant 0 : i32
    return %arg0, %c0_i32, %c0_i32_0 : i32, i32, i32
  }
  func.func @transform_2(%arg0: i32) -> (i32, i32, i32) {
    %c7_i32 = arith.constant 7 : i32
    %c0_i32 = arith.constant 0 : i32
    %c0_i32_0 = arith.constant 0 : i32
    return %arg0, %c7_i32, %c0_i32 : i32, i32, i32
  }
}

module attributes {stable_mosaic.version = 14 : i64} {
  func.func @_tc_body(%arg0: i32, %arg1: i32, %arg2: memref<1x896x1024xf32, #tpu.memory_space<vmem>>, %arg3: memref<896x1024xf32, #tpu.memory_space<vmem>>, %arg4: memref<1x896x1024xf32, #tpu.memory_space<vmem>>) attributes {dimension_semantics = [#tpu.dimension_semantics<arbitrary>, #tpu.dimension_semantics<arbitrary>], iteration_bounds = array<i64: 2, 4>, scalar_prefetch = 0 : i64, scratch_operands = 0 : i64, tpu.core_type = #tpu.core_type<tc>, window_params = [{transform_indices = @transform_0, window_bounds = array<i64: 1, 896, 1024>}, {transform_indices = @transform_1, window_bounds = array<i64: 896, 1024>}, {transform_indices = @transform_2, window_bounds = array<i64: 1, 896, 1024>}]} {
    %get3A = arith.constant 0 : index
    %get3A_0 = arith.constant 0 : index
    %get3A_1 = arith.constant 0 : index
    %get3A_2 = vector.load %arg2[%get3A, %get3A_0, %get3A_1] : memref<1x896x1024xf32, #tpu.memory_space<vmem>>, vector<1x896x1024xf32>
    %get3A_3 = arith.constant 0 : index
    %get3A_4 = arith.constant 0 : index
    %get3A_5 = vector.load %arg3[%get3A_3, %get3A_4] : memref<896x1024xf32, #tpu.memory_space<vmem>>, vector<896x1024xf32>
    %broadcast_in_dim3A = vector.shape_cast %get3A_5 : vector<896x1024xf32> to vector<1x896x1024xf32>
    %add3A = arith.addf %get3A_2, %broadcast_in_dim3A : vector<1x896x1024xf32>
    %swap3A = arith.constant 0 : index
    %swap3A_6 = arith.constant 0 : index
    %swap3A_7 = arith.constant 0 : index
    %swap3A_8 = vector.load %arg4[%swap3A, %swap3A_6, %swap3A_7] : memref<1x896x1024xf32, #tpu.memory_space<vmem>>, vector<1x896x1024xf32>
    tpu.vector_store %arg4[%swap3A, %swap3A_6, %swap3A_7], %add3A {strides = array<i32>} : memref<1x896x1024xf32, #tpu.memory_space<vmem>>, vector<1x896x1024xf32>,
    return
  }
  func.func @transform_0(%arg0: i32, %arg1: i32) -> (i32, i32, i32) {
    %c0_i32 = arith.constant 0 : i32
    %c0_i32_0 = arith.constant 0 : i32
    return %arg1, %arg0, %c0_i32 : i32, i32, i32
  }
  func.func @transform_1(%arg0: i32, %arg1: i32) -> (i32, i32) {
    %c0_i32 = arith.constant 0 : i32
    %c0_i32_0 = arith.constant 0 : i32
    return %arg0, %c0_i32 : i32, i32
  }
  func.func @transform_2(%arg0: i32, %arg1: i32) -> (i32, i32, i32) {
    %c0_i32 = arith.constant 0 : i32
    %c0_i32_0 = arith.constant 0 : i32
    return %arg1, %arg0, %c0_i32 : i32, i32, i32
  }
}

</mosaic_0001>

<sc_bundles>
// kernel: kernel.5.cloned.1.call-start
scs
__scs_entry_jumppad:
0x0: {  	(pc) =	sbr.rel $0x88, $3  }
0x1: {  	(tag) =	ssettag $0x0;
	lr =	simm.s32 $0x1  }
0x2: {  	[smem:$0x3F9F] =	sst lr;
	_ =	strace $0xD0000000  }
0x3: {  	_ = 	snop  }
0x4: {  	_ = 	snop  }
0x5: {  	_ = 	snop  }
0x6: {  	_ = 	snop  }
0x7: {  	_ = 	snop  }
__scs_overlays_trampoline_lowered:
0x8: {  	[smem:$0x3FAE] =	sst s0  }
0x9: {  	[smem:$0x3FAF] =	sst s1  }
0xa: {  	[smem:$0x3FB0] =	sst s2  }
0xb: {  	[smem:$0x3FB1] =	sst s3  }
0xc: {  	[smem:$0x3FB2] =	sst s4  }
0xd: {  	[smem:$0x3FB3] =	sst s5  }
0xe: {  	[smem:$0x3FB4] =	sst s6  }
0xf: {  	[smem:$0x3FB5] =	sst s7  }
0x10: {  	[smem:$0x3FB6] =	sst s8  }
0x11: {  	[smem:$0x3FB7] =	sst s9;
	s0 =	simm.s32 @!p0 $0x0  }
0x12: {  	s1 =	sld [smem:$0x3F9D];
	s0 =	simm.s32 @p0 $0x1  }
0x13: {  	[smem:$0x3FB8] =	sst s0;
	s0 =	simm.s32 @!p1 $0x0  }
0x14: {  	s2 =	sld [smem:$0x3F9C];
	s0 =	simm.s32 @p1 $0x1  }
0x15: {  	[smem:$0x3FB9] =	sst s0;
	s0 =	simm.s32 @!p2 $0x0  }
0x16: {  	s3 =	sld [smem:$0x3FDB];
	s0 =	simm.s32 @p2 $0x1  }
0x17: {  	s4 =	simm.s32 $0x1BF5;
	[smem:$0x3FBB] =	sst s0  }
0x18: {  	s0 =	sld [smem:$0x3F9E];
	_ =	swait.ge [sflag:s4], $0x0  }
0x19: {  	s7 =	sld [smem:$0x3F9F]  }
0x1a: {  	s8 =	sadd.s32 $0xFFFFE003, lr  }
0x1b: {  	s9 =	sadd.s32 $0xFFFFFEF7, lr;
	s5 =	simm.s32 $0xFFFFFFFF;
	p2 =	slt.u32 s8, $0xFFFFF086  }
0x1c: {  	p1 =	slt.u32 s9, $0xF7A;
	s5 =	simm.s32 @!p2 $0x0  }
0x1d: {  	s5 =	simm.s32 @p1 $0x1;
	p0 =	seq.s32 s7, s2  }
0x1e: {  	s7 =	smul.u32 @!p0 $0xF7A, s2;
	p2 =	seq.s32 @!p0 s5, $0x0  }
0x1f: {  	s9 =	smul.u32 $0xF7A, s1;
	s8 =	simm.s32 @!p0 $0x1BF5;
	p2 =	por !p2, p0  }
0x20: {  	[sflag:s8] =	ssyncset.s32 @!p0 $0xFFFFF086;
	s6 =	sadd.s32 @!p0 s3, s7;
	s7 =	simm.s32 @!p0 $0x108  }
0x21: {  	s3 =	sadd.s32 s3, s9;
	s6 =	sadd.s32 @!p0 $0x88, s6;
	s7 =	simm.s32 @p2 $0x1082  }
0x22: {  	[simem:s7], [sflag:s8] =	dma.local @!p0 [hbm:s6], $0xF7A  }
0x23: {  	s9 =	sor.u32 $0xD0000000, s2;
	s6 =	simm.s32 $0x108;
	_ =	swait.ge @!p0 [sflag:s8], $0x0  }
0x24: {  	s3 =	sadd.s32 $0x88, s3;
	s6 =	simm.s32 @!p1 $0x1082;
	[sflag:s4] =	ssyncset.s32 $0xFFFFF086  }
0x25: {  	[simem:s6], [sflag:s4] =	dma.local [hbm:s3], $0xF7A  }
0x26: {  	[smem:$0x3F9F] =	sst s1;
	(tag) =	ssettag s2;
	_ =	strace s9  }
0x27: {  	s1 =	sld [smem:$0x3FAF]  }
0x28: {  	s2 =	sld [smem:$0x3FB0]  }
0x29: {  	s4 =	sld [smem:$0x3FB2]  }
0x2a: {  	p0 =	seq.s32 s5, $0x0;
	s5 =	sld [smem:$0x3FB3]  }
0x2b: {  	s6 =	sld [smem:$0x3FB4]  }
0x2c: {  	s7 =	sld [smem:$0x3FB5]  }
0x2d: {  	s3 =	simm.s32 $0x108;
	s8 =	sld [smem:$0x3FB6]  }
0x2e: {  	s3 =	simm.s32 @!p0 $0x1082;
	s9 =	sld [smem:$0x3FB7]  }
0x2f: {  	lr =	sadd.s32 s0, s3;
	s0 =	sld [smem:$0x3FAE]  }
0x30: {  	s3 =	sld [smem:$0x3FB1]  }
0x31: {  	[smem:$0x3FBA] =	sst s10  }
0x32: {  	s10 =	sld [smem:$0x3FB8];
	_ =	sdelay $0x3  }
0x33: {  	p0 =	seq.s32 s10, $0x1;
	s10 =	sld [smem:$0x3FBA];
	_ =	sdelay $0x3  }
0x34: {  	[smem:$0x3FBA] =	sst s10  }
0x35: {  	s10 =	sld [smem:$0x3FB9];
	_ =	sdelay $0x3  }
0x36: {  	p1 =	seq.s32 s10, $0x1;
	s10 =	sld [smem:$0x3FBA];
	_ =	sdelay $0x3  }
0x37: {  	[smem:$0x3FBA] =	sst s10  }
0x38: {  	s10 =	sld [smem:$0x3FBB]  }
0x39: {  	_ = 	snop;
	(pc) =	sbr.ind lr, $3  }
0x3a: {  	_ = 	snop  }
0x3b: {  	_ = 	snop  }
0x3c: {  	p2 =	seq.s32 s10, $0x1;
	s10 =	sld [smem:$0x3FBA]  }
0x3d: {  	_ =	shalt  }
0x3e: {  	_ =	shalt  }
0x3f: {  	_ =	shalt  }
0x40: {  	_ =	shalt  }
0x41: {  	_ =	shalt  }
0x42: {  	_ =	shalt  }
0x43: {  	_ =	shalt  }
0x44: {  	_ =	shalt  }
0x45: {  	_ =	shalt  }
0x46: {  	_ =	shalt  }
0x47: {  	_ =	shalt  }
0x48: {  	_ =	shalt  }
0x49: {  	_ =	shalt  }
0x4a: {  	_ =	shalt  }
0x4b: {  	_ =	shalt  }
0x4c: {  	_ =	shalt  }
0x4d: {  	_ =	shalt  }
0x4e: {  	_ =	shalt  }
0x4f: {  	_ =	shalt  }
0x50: {  	_ =	shalt  }
0x51: {  	_ =	shalt  }
0x52: {  	_ =	shalt  }
0x53: {  	_ =	shalt  }
0x54: {  	_ =	shalt  }
0x55: {  	_ =	shalt  }
0x56: {  	_ =	shalt  }
0x57: {  	_ =	shalt  }
0x58: {  	_ =	shalt  }
0x59: {  	_ =	shalt  }
0x5a: {  	_ =	shalt  }
0x5b: {  	_ =	shalt  }
0x5c: {  	_ =	shalt  }
0x5d: {  	_ =	shalt  }
0x5e: {  	_ =	shalt  }
0x5f: {  	_ =	shalt  }
0x60: {  	_ =	shalt  }
0x61: {  	_ =	shalt  }
0x62: {  	_ =	shalt  }
0x63: {  	_ =	shalt  }
0x64: {  	_ =	shalt  }
0x65: {  	_ =	shalt  }
0x66: {  	_ =	shalt  }
0x67: {  	_ =	shalt  }
0x68: {  	_ =	shalt  }
0x69: {  	_ =	shalt  }
0x6a: {  	_ =	shalt  }
0x6b: {  	_ =	shalt  }
0x6c: {  	_ =	shalt  }
0x6d: {  	_ =	shalt  }
0x6e: {  	_ =	shalt  }
0x6f: {  	_ =	shalt  }
0x70: {  	_ =	shalt  }
0x71: {  	_ =	shalt  }
0x72: {  	_ =	shalt  }
0x73: {  	_ =	shalt  }
0x74: {  	_ =	shalt  }
0x75: {  	_ =	shalt  }
0x76: {  	_ =	shalt  }
0x77: {  	_ =	shalt  }
0x78: {  	_ =	shalt  }
0x79: {  	_ =	shalt  }
0x7a: {  	_ =	shalt  }
0x7b: {  	_ =	shalt  }
0x7c: {  	_ =	shalt  }
0x7d: {  	_ =	shalt  }
0x7e: {  	_ =	shalt  }
0x7f: {  	_ =	shalt  }
0x80: {  	_ =	shalt  }
0x81: {  	_ =	shalt  }
0x82: {  	_ =	shalt  }
0x83: {  	_ =	shalt  }
0x84: {  	_ =	shalt  }
0x85: {  	_ =	shalt  }
0x86: {  	_ =	shalt  }
0x87: {  	_ =	shalt  }
.Lfunc_end0:
.L_simem_size_0:
called_computation_lowered:
.L_overlay_start_0:
0x88: {  	s2 =	sld [smem:$0x3FD9]  }
0x89: {  	s3 =	sld [smem:$0x3FFE];
	_ =	sdelay $0x1  }
0x8a: {  	s1 =	srdreg.scid  }
0x8b: {  	s0 =	sand.u32 $0x1, s1  }
0x8c: {  	s17 =	sshll.u32 s0, $0xA;
	s2 =	sadd.s32 s3, s2  }
0x8d: {  	s2 =	sadd.s32 s2, s17  }
0x8e: {  	[smem:$0x3FC6] =	sst s2  }
0x8f: {  	_ = 	snop  }
0x90: {  	s2 =	sld [smem:$0x3FC9]  }
0x91: {  	s18 =	sld [smem:$0x3FC8];
	(tm) =	ssettm $0x1  }
0x92: {  	s4 =	sld [smem:$0x3FFB];
	_ =	sdelay $0x3  }
0x93: {  	_ =	strace s4  }
0x94: {  	s4 =	sld [smem:$0x3FFC];
	_ =	sdelay $0x3  }
0x95: {  	_ =	strace s4  }
0x96: {  	s4 =	sld [smem:$0x3FFD];
	_ =	sdelay $0x3  }
0x97: {  	_ =	strace s4  }
0x98: {  	_ =	strace $0x8FFFFFFF  }
0x99: {  	s19 =	sld [smem:$0x3FDB];
	_ =	sdelay $0x1  }
0x9a: {  	s5 =	simm.s32 $_scs_section_size  }
0x9b: {  	s6 =	simm.s32 $_size__tile_overlayer_lowered;
	s7 =	simm.s32 $_tile_overlayer_lowered  }
0x9c: {  	s22 =	simm.s32 $0x1BFF;
	s21 =	sshll.u32 s7, $0x1;
	s4 =	sadd.s32 s5, s19  }
0x9d: {  	s8 =	simm.s32 $0x0;
	s20 =	sshll.u32 s6, $0x1;
	s6 =	sadd.s32 s21, s4  }
0x9e: {  	[timem:s8], [sflag:s22] =	dma.local [hbm:s6], s20  }
0x9f: {  	_ =	swait.ge [sflag:s22], s20  }
0xa0: {  	s5 =	ssub.s32 $0x0, s20;
	[sflag:s22] =	ssyncset.done $0x0  }
0xa1: {  	[sflag:s22] =	ssyncadd.s32 s5;
	_ =	sdelay $0x1  }
0xa2: {  	s23 =	simm.s32 $0x1B8B  }
0xa3: {  	_ =	swait.ge [sflag:s23], $0x1  }
0xa4: {  	[sflag:s23] =	ssyncset.done $0x0  }
0xa5: {  	s25 =	simm.s32 $0x1B8E;
	s24 =	sld [smem:$0x3FFE];
	[sflag:s23] =	ssyncadd.s32 $0xFFFFFFFF  }
0xa6: {  	s26 =	simm.s32 $execute0_lowered;
	[smem:$0x3FD2] =	sst s25  }
0xa7: {  	s6 =	sshll.u32 s26, $0x1;
	_ =	strace $0x80000046;
	[dreg:$0x1] =	wrdreg $0xFFFFFFFF  }
0xa8: {  	s28 =	simm.s32 $_size_execute0_lowered;
	s4 =	sadd.s32 s4, s6;
	[dreg:$0x0] =	wrdreg $0x0  }
0xa9: {  	s6 =	sshll.u32 s28, $0x1;
	[dreg:$0x2] =	wrdreg s4  }
0xaa: {  	[dreg:$0x3] =	wrdreg s6  }
0xab: {  	[dreg:$0x4] =	wrdreg $0xC0  }
0xac: {  	_ =	task [dreg:s8], $0x5FFFF  }
0xad: {  	[dreg:$0x1] =	wrdreg $0xFFFFFFFF  }
0xae: {  	[dreg:$0x0] =	wrdreg $0x60  }
0xaf: {  	[dreg:$0x2] =	wrdreg s2  }
0xb0: {  	[dreg:$0x3] =	wrdreg s18  }
0xb1: {  	[dreg:$0x4] =	wrdreg s24  }
0xb2: {  	[dreg:$0x5] =	wrdreg $0x9  }
0xb3: {  	_ =	task.clear_ibuf [dreg:s8], $0x6FFFF;
	_ =	strace $0x90000046  }
0xb4: {  	s29 =	simm.s32 $0x9;
	_ =	strace $0x80000048  }
0xb5: {  	_ =	swait.ge [sflag:s29], $0x1  }
0xb6: {  	[sflag:s29] =	ssyncadd.s32 $0xFFFFFFFF  }
0xb7: {  	_ =	strace $0x90000048  }
0xb8: {  	_ =	sfence  }
0xb9: {  	s30 =	sld [smem:$0x0];
	_ =	sdelay $0x2  }
0xba: {  	s31 =	sshll.u32 s1, $0xD;
	s1 =	sshrl.u32 s1, $0x2  }
0xbb: {  	s3 =	sand.u32 $0x4000, s31;
	s1 =	sadd.s32 s1, s30  }
0xbc: {  	s0 =	sor.u32 s3, s0;
	s1 =	sshll.u32 s1, $0x11  }
0xbd: {  	s0 =	sor.u32 s1, s0  }
0xbe: {  	s0 =	sadd.s32 $0x8F2B, s0  }
0xbf: {  	[sflag:s0] =	ssyncadd.remote.s32 $0x1  }
0xc0: {  	_ =	sfence.sel $0xFFFF  }
0xc1: {  	[dreg:$0x0] =	wrdreg $0xFFFFFFFF;
	(pc) =	sbr.abs _section_cstart, $3  }
0xc2: {  	[dreg:$0x1] =	wrdreg $0xFFFFFFFF  }
0xc3: {  	_ =	task.clear_ibuf [dreg:s8], $0x2FFFF;
	_ =	strace $0x9FFFFFFF  }
0xc4: {  	(tm) =	ssettm $0x7FFFFFFF  }
0xc5: {  	_ =	shalt  }
tec
execute0_lowered:
.L_overlay_start_1:
0x0: {  	(tag) =	ssettag $0x1  }
0x1: {  	s3 =	rddreg [dreg:$0x0]  }
0x2: {  	s4 =	rddreg [dreg:$0x1]  }
0x3: {  	s5 =	rddreg [dreg:$0x2];
	s2 =	srdreg.scid  }
0x4: {  	s0 =	rddreg [dreg:$0x3];
	s1 =	stileid.u32;
	s13 =	simm.s32 $0x5  }
0x5: {  	s14 =	simm.s32 $0x1;
	s15 =	simm.s32 $0x4000;
	s16 =	simm.s32 $0x2  }
0x6: {  	s17 =	simm.s32 $0x8000;
	s18 =	simm.s32 $0x3;
	s19 =	simm.s32 $0x4  }
0x7: {  	s20 =	simm.s32 $0x0;
	s6 =	sand.u32 $0x1, s2;
	s2 =	simm.s32 $0x0  }
0x8: {  	s7 =	sshll.u32 s1, $0xB;
	s8 =	sshll.u32 s6, $0xA;
	[smem:$0x7FF] =	sst s2  }
0x9: {  	s6 =	ssub.s32 $0x2, s6;
	s7 =	sor.u32 s8, s7;
	_ =	strace $0x80000047  }
0xa: {  	s30 =	sshrl.u32 s6, $0x1;
	s11 =	sadd.s32 s7, s5;
	s31 =	sor.u32 $0x38000, s7  }
0xb: {  	s12 =	ssub.s32 s6, s30;
	s9 =	sadd.s32 s7, s3;
	s3 =	sadd.s32 s3, s31  }
0xc: {  	s4 =	sadd.s32 s4, s31;
	s5 =	sadd.s32 $0x78000, s9;
	s6 =	sadd.s32 $0x800, s11  }
0xd: {  	s7 =	sadd.s32 $0xB8000, s9;
	s8 =	sadd.s32 $0x8800, s11;
	s9 =	sadd.s32 $0xF8000, s9  }
0xe: {  	s10 =	sadd.s32 $0x10800, s11;
	s11 =	sadd.s32 $0x18800, s11;
	s12 =	smax.u32 s12, $0x1  }
.LBB2_1:
0xf: {  	s21 =	simm.s32 $0x2000  }
0x10: {  	[tilespmem:s21], [sflag:$0x1] =	stream.linear.gather [hbm4b:s3+s2], $0x2000, $0x38;
	[tilespmem:$0xA000] =	vst v63  }
0x11: {  	_ = 	snop  }
0x12: {  	[tilespmem:s2], [sflag:$0x5] =	stream.linear.gather [hbm4b:s4+s2], $0x2000, $0x38;
	[tilespmem:$0xA000] =	vst v63  }
0x13: {  	_ =	swait.ge [sflag:s13], $0x2000  }
0x14: {  	s22 =	simm.s32 $0x0;
	[sflag:s13] =	ssyncset.done $0x0  }
0x15: {  	s22 =	smul.u32 $0xFFFF8200, s22;
	[sflag:s13] =	ssyncadd.s32 $0xFFFFE000  }
0x16: {  	_ =	swait.ge [sflag:s14], $0x2000  }
0x17: {  	s22 =	sshra.s32 s22, $0x2;
	[sflag:s14] =	ssyncset.done $0x0  }
0x18: {  	s24 =	sadd.s32 $0x2000, s22;
	[sflag:s14] =	ssyncadd.s32 $0xFFFFE000  }
0x19: {  	[tilespmem:s15], [sflag:$0x2] =	stream.linear.gather [hbm4b:s5+s2], $0x2000, $0x38;
	[tilespmem:$0xA000] =	vst v63  }
0x1a: {  	s23 =	sadd.s32 $0x0, s22;
	v1 =	vld [tilespmem:s24+$0x70]  }
0x1b: {  	v2 =	vld [tilespmem:s23+$0x70]  }
0x1c: {  	v4 =	vld [tilespmem:s24+$0x0]  }
0x1d: {  	v5 =	vld [tilespmem:s23+$0x0]  }
0x1e: {  	v6 =	vld [tilespmem:s24+$0x10]  }
0x1f: {  	v7 =	vld [tilespmem:s23+$0x10]  }
0x20: {  	v0 =	vld [tilespmem:s24+$0x20]  }
0x21: {  	v3 =	vld [tilespmem:s23+$0x20];
	v2 =	vadd.f32 v2, v1  }
0x22: {  	s22 =	sadd.s32 $0x6000, s22;
	v5 =	vadd.f32 v5, v4;
	v1 =	vld [tilespmem:s24+$0x30]  }
0x23: {  	s25 =	simm.s32 $0x6000;
	v4 =	vld [tilespmem:s23+$0x30];
	[tilespmem:s22+$0x70] =	vst v2  }
0x24: {  	s26 =	simm.s32 $0x0;
	s28 =	simm.s32 $0x80;
	s29 =	simm.s32 $0x0;
	[tilespmem:s22+$0x0] =	vst v5;
	v5 =	vadd.f32 v7, v6;
	v2 =	vld [tilespmem:s24+$0x40]  }
.LBB2_2:
0x25: {  	s30 =	sshrl.u32 s28, $0xA;
	v6 =	vld [tilespmem:s23+$0x40]  }
0x26: {  	s26 =	sadd.s32 $0x80, s26;
	s30 =	smul.u32 $0xFFFF8200, s30;
	[tilespmem:s22+$0x10] =	vst v5;
	v0 =	vadd.f32 v3, v0;
	v3 =	vld [tilespmem:s24+$0x50]  }
0x27: {  	p0 =	slt.u32 s26, $0x1F80;
	v5 =	vld [tilespmem:s23+$0x50]  }
0x28: {  	s21 =	sadd.s32 $0x400, s21;
	s30 =	sshra.s32 s30, $0x2;
	[tilespmem:s22+$0x20] =	vst v0;
	v0 =	vadd.f32 v4, v1;
	v1 =	vld [tilespmem:s24+$0x60]  }
0x29: {  	s29 =	sadd.s32 $0x400, s29;
	s24 =	sadd.s32 s30, s21;
	v4 =	vld [tilespmem:s23+$0x60]  }
0x2a: {  	s23 =	sadd.s32 s30, s29;
	v7 =	vld [tilespmem:s24+$0x70];
	[tilespmem:s22+$0x30] =	vst v0;
	v0 =	vadd.f32 v6, v2  }
0x2b: {  	v2 =	vld [tilespmem:s23+$0x70]  }
0x2c: {  	v6 =	vld [tilespmem:s24+$0x0];
	[tilespmem:s22+$0x40] =	vst v0;
	v0 =	vadd.f32 v5, v3  }
0x2d: {  	v5 =	vld [tilespmem:s23+$0x0]  }
0x2e: {  	v8 =	vld [tilespmem:s24+$0x10];
	[tilespmem:s22+$0x50] =	vst v0;
	v1 =	vadd.f32 v4, v1  }
0x2f: {  	v9 =	vld [tilespmem:s23+$0x10]  }
.Ltmp0:
0x30: {  	s25 =	sadd.s32 $0x400, s25;
	v0 =	vld [tilespmem:s24+$0x20];
	v2 =	vadd.f32 v2, v7;
	[tilespmem:s22+$0x60] =	vst v1;
	(pc) =	sbr.rel @p0 .LBB2_2-.Ltmp0, $4  }
0x31: {  	s22 =	sadd.s32 s30, s25;
	v3 =	vld [tilespmem:s23+$0x20]  }
0x32: {  	v5 =	vadd.f32 v5, v6;
	v1 =	vld [tilespmem:s24+$0x30];
	[tilespmem:s22+$0x70] =	vst v2  }
0x33: {  	v4 =	vld [tilespmem:s23+$0x30]  }
0x34: {  	s28 =	sadd.s32 $0x80, s28;
	[tilespmem:s22+$0x0] =	vst v5;
	v5 =	vadd.f32 v9, v8;
	v2 =	vld [tilespmem:s24+$0x40]  }
0x35: {  	v6 =	vld [tilespmem:s23+$0x40]  }
0x36: {  	v7 =	vld [tilespmem:s24+$0x50]  }
0x37: {  	v8 =	vld [tilespmem:s23+$0x50]  }
0x38: {  	v9 =	vld [tilespmem:s24+$0x60]  }
0x39: {  	v10 =	vld [tilespmem:s23+$0x60]  }
0x3a: {  	v0 =	vadd.f32 v3, v0  }
0x3b: {  	[tilespmem:s22+$0x10] =	vst v5;
	v1 =	vadd.f32 v4, v1  }
0x3c: {  	[tilespmem:s22+$0x20] =	vst v0;
	v0 =	vadd.f32 v6, v2  }
0x3d: {  	[tilespmem:s22+$0x30] =	vst v1;
	v1 =	vadd.f32 v8, v7  }
0x3e: {  	[tilespmem:s22+$0x40] =	vst v0;
	v0 =	vadd.f32 v10, v9  }
0x3f: {  	s30 =	simm.s32 $0x0;
	[tilespmem:s22+$0x50] =	vst v1  }
0x40: {  	s26 =	simm.s32 $0x0;
	s21 =	simm.s32 $0x6000;
	s24 =	smul.u32 $0xFFFF8200, s30;
	[tilespmem:s22+$0x60] =	vst v0  }
0x41: {  	[hbm4b:s6+s26] =	stream.linear.scatter [tilespmem:s21], [sflag:$0x3], $0x2000, $0x38;
	[tilespmem:$0xA000] =	vst v63  }
0x42: {  	_ =	swait.ge [sflag:s16], $0x2000  }
0x43: {  	s31 =	sshra.s32 s24, $0x2;
	[sflag:s16] =	ssyncset.done $0x0  }
0x44: {  	s25 =	sadd.s32 $0x2000, s31;
	s22 =	simm.s32 $0x2000;
	[sflag:s16] =	ssyncadd.s32 $0xFFFFE000  }
0x45: {  	[tilespmem:s22], [sflag:$0x1] =	stream.linear.gather [hbm4b:s7+s26], $0x2000, $0x38;
	[tilespmem:$0xA000] =	vst v63  }
0x46: {  	s24 =	sadd.s32 $0x70, s31;
	v1 =	vld [tilespmem:s25+$0x2070]  }
0x47: {  	v2 =	vld [tilespmem:s24+$0x0]  }
0x48: {  	v4 =	vld [tilespmem:s25+$0x2000]  }
0x49: {  	v5 =	vld [tilespmem:s24+$0xFFFFFF90]  }
0x4a: {  	v6 =	vld [tilespmem:s25+$0x2010]  }
0x4b: {  	v7 =	vld [tilespmem:s24+$0xFFFFFFA0]  }
0x4c: {  	v0 =	vld [tilespmem:s25+$0x2020]  }
0x4d: {  	v3 =	vld [tilespmem:s24+$0xFFFFFFB0];
	v2 =	vadd.f32 v2, v1  }
0x4e: {  	s23 =	sadd.s32 $0x6000, s31;
	v5 =	vadd.f32 v5, v4;
	v1 =	vld [tilespmem:s25+$0x2030]  }
0x4f: {  	v4 =	vld [tilespmem:s24+$0xFFFFFFC0];
	[tilespmem:s23+$0x2070] =	vst v2  }
0x50: {  	s28 =	simm.s32 $0x0;
	s29 =	simm.s32 $0x80;
	s26 =	simm.s32 $0x70;
	[tilespmem:s23+$0x2000] =	vst v5;
	v5 =	vadd.f32 v7, v6;
	v2 =	vld [tilespmem:s25+$0x2040]  }
.LBB2_4:
0x51: {  	s30 =	sshrl.u32 s29, $0xA;
	v6 =	vld [tilespmem:s24+$0xFFFFFFD0]  }
0x52: {  	s28 =	sadd.s32 $0x80, s28;
	s30 =	smul.u32 $0xFFFF8200, s30;
	[tilespmem:s23+$0x2010] =	vst v5;
	v0 =	vadd.f32 v3, v0;
	v3 =	vld [tilespmem:s25+$0x2050]  }
0x53: {  	p0 =	slt.u32 s28, $0x1F80;
	v5 =	vld [tilespmem:s24+$0xFFFFFFE0]  }
0x54: {  	s22 =	sadd.s32 $0x400, s22;
	s30 =	sshra.s32 s30, $0x2;
	[tilespmem:s23+$0x2020] =	vst v0;
	v0 =	vadd.f32 v4, v1;
	v1 =	vld [tilespmem:s25+$0x2060]  }
0x55: {  	s26 =	sadd.s32 $0x400, s26;
	s25 =	sadd.s32 s30, s22;
	v4 =	vld [tilespmem:s24+$0xFFFFFFF0]  }
0x56: {  	s24 =	sadd.s32 s30, s26;
	v7 =	vld [tilespmem:s25+$0x2070];
	[tilespmem:s23+$0x2030] =	vst v0;
	v0 =	vadd.f32 v6, v2  }
0x57: {  	v2 =	vld [tilespmem:s24+$0x0]  }
0x58: {  	v6 =	vld [tilespmem:s25+$0x2000];
	[tilespmem:s23+$0x2040] =	vst v0;
	v0 =	vadd.f32 v5, v3  }
0x59: {  	v5 =	vld [tilespmem:s24+$0xFFFFFF90]  }
0x5a: {  	v8 =	vld [tilespmem:s25+$0x2010];
	[tilespmem:s23+$0x2050] =	vst v0;
	v1 =	vadd.f32 v4, v1  }
0x5b: {  	v9 =	vld [tilespmem:s24+$0xFFFFFFA0]  }
.Ltmp1:
0x5c: {  	s21 =	sadd.s32 $0x400, s21;
	v0 =	vld [tilespmem:s25+$0x2020];
	v2 =	vadd.f32 v2, v7;
	[tilespmem:s23+$0x2060] =	vst v1;
	(pc) =	sbr.rel @p0 .LBB2_4-.Ltmp1, $4  }
0x5d: {  	s23 =	sadd.s32 s30, s21;
	v3 =	vld [tilespmem:s24+$0xFFFFFFB0]  }
0x5e: {  	v5 =	vadd.f32 v5, v6;
	v1 =	vld [tilespmem:s25+$0x2030];
	[tilespmem:s23+$0x2070] =	vst v2  }
0x5f: {  	v4 =	vld [tilespmem:s24+$0xFFFFFFC0]  }
0x60: {  	s29 =	sadd.s32 $0x80, s29;
	[tilespmem:s23+$0x2000] =	vst v5;
	v5 =	vadd.f32 v9, v8;
	v2 =	vld [tilespmem:s25+$0x2040]  }
0x61: {  	v6 =	vld [tilespmem:s24+$0xFFFFFFD0]  }
0x62: {  	v7 =	vld [tilespmem:s25+$0x2050]  }
0x63: {  	v8 =	vld [tilespmem:s24+$0xFFFFFFE0]  }
0x64: {  	v9 =	vld [tilespmem:s25+$0x2060]  }
0x65: {  	v10 =	vld [tilespmem:s24+$0xFFFFFFF0]  }
0x66: {  	v0 =	vadd.f32 v3, v0  }
0x67: {  	[tilespmem:s23+$0x2010] =	vst v5;
	v1 =	vadd.f32 v4, v1  }
0x68: {  	[tilespmem:s23+$0x2020] =	vst v0;
	v0 =	vadd.f32 v6, v2  }
0x69: {  	[tilespmem:s23+$0x2030] =	vst v1;
	v1 =	vadd.f32 v8, v7  }
0x6a: {  	[tilespmem:s23+$0x2040] =	vst v0;
	v0 =	vadd.f32 v10, v9  }
0x6b: {  	[tilespmem:s23+$0x2050] =	vst v1  }
0x6c: {  	s21 =	simm.s32 $0x0;
	[tilespmem:s23+$0x2060] =	vst v0  }
0x6d: {  	[hbm4b:s8+s21] =	stream.linear.scatter [tilespmem:s17], [sflag:$0x4], $0x2000, $0x38;
	[tilespmem:$0xA000] =	vst v63  }
0x6e: {  	_ =	swait.ge [sflag:s14], $0x2000  }
0x6f: {  	s22 =	simm.s32 $0x0;
	[sflag:s14] =	ssyncset.done $0x0  }
0x70: {  	s22 =	smul.u32 $0xFFFF8200, s22;
	[sflag:s14] =	ssyncadd.s32 $0xFFFFE000  }
0x71: {  	[tilespmem:s15], [sflag:$0x2] =	stream.linear.gather [hbm4b:s9+s21], $0x2000, $0x38;
	[tilespmem:$0xA000] =	vst v63  }
0x72: {  	_ =	swait.ge [sflag:s18], $0x2000  }
0x73: {  	s22 =	sshra.s32 s22, $0x2;
	[sflag:s18] =	ssyncset.done $0x0  }
0x74: {  	s24 =	sadd.s32 $0x2000, s22;
	[sflag:s18] =	ssyncadd.s32 $0xFFFFE000  }
0x75: {  	s23 =	sadd.s32 $0x0, s22;
	v1 =	vld [tilespmem:s24+$0x70]  }
0x76: {  	v2 =	vld [tilespmem:s23+$0x70]  }
0x77: {  	v4 =	vld [tilespmem:s24+$0x0]  }
0x78: {  	v5 =	vld [tilespmem:s23+$0x0]  }
0x79: {  	v6 =	vld [tilespmem:s24+$0x10]  }
0x7a: {  	v7 =	vld [tilespmem:s23+$0x10]  }
0x7b: {  	v0 =	vld [tilespmem:s24+$0x20]  }
0x7c: {  	v3 =	vld [tilespmem:s23+$0x20];
	v2 =	vadd.f32 v2, v1  }
0x7d: {  	s22 =	sadd.s32 $0x6000, s22;
	v5 =	vadd.f32 v5, v4;
	v1 =	vld [tilespmem:s24+$0x30]  }
0x7e: {  	s25 =	simm.s32 $0x6000;
	v4 =	vld [tilespmem:s23+$0x30];
	[tilespmem:s22+$0x70] =	vst v2  }
0x7f: {  	s26 =	simm.s32 $0x2000;
	s28 =	simm.s32 $0x0;
	s29 =	simm.s32 $0x80;
	[tilespmem:s22+$0x0] =	vst v5;
	v5 =	vadd.f32 v7, v6;
	v2 =	vld [tilespmem:s24+$0x40]  }
.LBB2_6:
0x80: {  	s30 =	sshrl.u32 s29, $0xA;
	v6 =	vld [tilespmem:s23+$0x40]  }
0x81: {  	s28 =	sadd.s32 $0x80, s28;
	s30 =	smul.u32 $0xFFFF8200, s30;
	[tilespmem:s22+$0x10] =	vst v5;
	v0 =	vadd.f32 v3, v0;
	v3 =	vld [tilespmem:s24+$0x50]  }
0x82: {  	p0 =	slt.u32 s28, $0x1F80;
	v5 =	vld [tilespmem:s23+$0x50]  }
0x83: {  	s26 =	sadd.s32 $0x400, s26;
	s30 =	sshra.s32 s30, $0x2;
	[tilespmem:s22+$0x20] =	vst v0;
	v0 =	vadd.f32 v4, v1;
	v1 =	vld [tilespmem:s24+$0x60]  }
0x84: {  	s21 =	sadd.s32 $0x400, s21;
	s24 =	sadd.s32 s30, s26;
	v4 =	vld [tilespmem:s23+$0x60]  }
0x85: {  	s23 =	sadd.s32 s30, s21;
	v7 =	vld [tilespmem:s24+$0x70];
	[tilespmem:s22+$0x30] =	vst v0;
	v0 =	vadd.f32 v6, v2  }
0x86: {  	v2 =	vld [tilespmem:s23+$0x70]  }
0x87: {  	v6 =	vld [tilespmem:s24+$0x0];
	[tilespmem:s22+$0x40] =	vst v0;
	v0 =	vadd.f32 v5, v3  }
0x88: {  	v5 =	vld [tilespmem:s23+$0x0]  }
0x89: {  	v8 =	vld [tilespmem:s24+$0x10];
	[tilespmem:s22+$0x50] =	vst v0;
	v1 =	vadd.f32 v4, v1  }
0x8a: {  	v9 =	vld [tilespmem:s23+$0x10]  }
.Ltmp2:
0x8b: {  	s25 =	sadd.s32 $0x400, s25;
	v0 =	vld [tilespmem:s24+$0x20];
	v2 =	vadd.f32 v2, v7;
	[tilespmem:s22+$0x60] =	vst v1;
	(pc) =	sbr.rel @p0 .LBB2_6-.Ltmp2, $4  }
0x8c: {  	s22 =	sadd.s32 s30, s25;
	v3 =	vld [tilespmem:s23+$0x20]  }
0x8d: {  	v5 =	vadd.f32 v5, v6;
	v1 =	vld [tilespmem:s24+$0x30];
	[tilespmem:s22+$0x70] =	vst v2  }
0x8e: {  	v4 =	vld [tilespmem:s23+$0x30]  }
0x8f: {  	s29 =	sadd.s32 $0x80, s29;
	[tilespmem:s22+$0x0] =	vst v5;
	v5 =	vadd.f32 v9, v8;
	v2 =	vld [tilespmem:s24+$0x40]  }
0x90: {  	v6 =	vld [tilespmem:s23+$0x40]  }
0x91: {  	v7 =	vld [tilespmem:s24+$0x50]  }
0x92: {  	v8 =	vld [tilespmem:s23+$0x50]  }
0x93: {  	v9 =	vld [tilespmem:s24+$0x60]  }
0x94: {  	v10 =	vld [tilespmem:s23+$0x60]  }
0x95: {  	v0 =	vadd.f32 v3, v0  }
0x96: {  	[tilespmem:s22+$0x10] =	vst v5;
	v1 =	vadd.f32 v4, v1  }
0x97: {  	[tilespmem:s22+$0x20] =	vst v0;
	v0 =	vadd.f32 v6, v2  }
0x98: {  	[tilespmem:s22+$0x30] =	vst v1;
	v1 =	vadd.f32 v8, v7  }
0x99: {  	[tilespmem:s22+$0x40] =	vst v0;
	v0 =	vadd.f32 v10, v9  }
0x9a: {  	[tilespmem:s22+$0x50] =	vst v1  }
0x9b: {  	s30 =	simm.s32 $0x0;
	s21 =	simm.s32 $0x6000;
	[tilespmem:s22+$0x60] =	vst v0  }
0x9c: {  	[hbm4b:s10+s30] =	stream.linear.scatter [tilespmem:s21], [sflag:$0x3], $0x2000, $0x38;
	[tilespmem:$0xA000] =	vst v63  }
0x9d: {  	_ =	swait.ge [sflag:s16], $0x2000  }
0x9e: {  	s31 =	simm.s32 $0x0;
	[sflag:s16] =	ssyncset.done $0x0  }
0x9f: {  	s22 =	smul.u32 $0xFFFF8200, s31;
	[sflag:s16] =	ssyncadd.s32 $0xFFFFE000  }
0xa0: {  	_ =	swait.ge [sflag:s19], $0x2000  }
0xa1: {  	s22 =	sshra.s32 s22, $0x2;
	[sflag:s19] =	ssyncset.done $0x0  }
0xa2: {  	s24 =	sadd.s32 $0x2000, s22;
	[sflag:s19] =	ssyncadd.s32 $0xFFFFE000  }
0xa3: {  	s23 =	sadd.s32 $0x70, s22;
	v1 =	vld [tilespmem:s24+$0x2070]  }
0xa4: {  	v2 =	vld [tilespmem:s23+$0x0]  }
0xa5: {  	v4 =	vld [tilespmem:s24+$0x2000]  }
0xa6: {  	v5 =	vld [tilespmem:s23+$0xFFFFFF90]  }
0xa7: {  	v6 =	vld [tilespmem:s24+$0x2010]  }
0xa8: {  	v7 =	vld [tilespmem:s23+$0xFFFFFFA0]  }
0xa9: {  	v0 =	vld [tilespmem:s24+$0x2020]  }
0xaa: {  	v3 =	vld [tilespmem:s23+$0xFFFFFFB0];
	v2 =	vadd.f32 v2, v1  }
0xab: {  	s22 =	sadd.s32 $0x6000, s22;
	v5 =	vadd.f32 v5, v4;
	v1 =	vld [tilespmem:s24+$0x2030]  }
0xac: {  	s25 =	simm.s32 $0x70;
	v4 =	vld [tilespmem:s23+$0xFFFFFFC0];
	[tilespmem:s22+$0x2070] =	vst v2  }
0xad: {  	s26 =	simm.s32 $0x2000;
	s28 =	simm.s32 $0x0;
	s29 =	simm.s32 $0x80;
	[tilespmem:s22+$0x2000] =	vst v5;
	v5 =	vadd.f32 v7, v6;
	v2 =	vld [tilespmem:s24+$0x2040]  }
.LBB2_8:
0xae: {  	s30 =	sshrl.u32 s29, $0xA;
	v6 =	vld [tilespmem:s23+$0xFFFFFFD0]  }
0xaf: {  	s28 =	sadd.s32 $0x80, s28;
	s30 =	smul.u32 $0xFFFF8200, s30;
	[tilespmem:s22+$0x2010] =	vst v5;
	v0 =	vadd.f32 v3, v0;
	v3 =	vld [tilespmem:s24+$0x2050]  }
0xb0: {  	p0 =	slt.u32 s28, $0x1F80;
	v5 =	vld [tilespmem:s23+$0xFFFFFFE0]  }
0xb1: {  	s26 =	sadd.s32 $0x400, s26;
	s30 =	sshra.s32 s30, $0x2;
	[tilespmem:s22+$0x2020] =	vst v0;
	v0 =	vadd.f32 v4, v1;
	v1 =	vld [tilespmem:s24+$0x2060]  }
0xb2: {  	s25 =	sadd.s32 $0x400, s25;
	s24 =	sadd.s32 s30, s26;
	v4 =	vld [tilespmem:s23+$0xFFFFFFF0]  }
0xb3: {  	s23 =	sadd.s32 s30, s25;
	v7 =	vld [tilespmem:s24+$0x2070];
	[tilespmem:s22+$0x2030] =	vst v0;
	v0 =	vadd.f32 v6, v2  }
0xb4: {  	v2 =	vld [tilespmem:s23+$0x0]  }
0xb5: {  	v6 =	vld [tilespmem:s24+$0x2000];
	[tilespmem:s22+$0x2040] =	vst v0;
	v0 =	vadd.f32 v5, v3  }
0xb6: {  	v5 =	vld [tilespmem:s23+$0xFFFFFF90]  }
0xb7: {  	v8 =	vld [tilespmem:s24+$0x2010];
	[tilespmem:s22+$0x2050] =	vst v0;
	v1 =	vadd.f32 v4, v1  }
0xb8: {  	v9 =	vld [tilespmem:s23+$0xFFFFFFA0]  }
.Ltmp3:
0xb9: {  	s21 =	sadd.s32 $0x400, s21;
	v0 =	vld [tilespmem:s24+$0x2020];
	v2 =	vadd.f32 v2, v7;
	[tilespmem:s22+$0x2060] =	vst v1;
	(pc) =	sbr.rel @p0 .LBB2_8-.Ltmp3, $4  }
0xba: {  	s22 =	sadd.s32 s30, s21;
	v3 =	vld [tilespmem:s23+$0xFFFFFFB0]  }
0xbb: {  	v5 =	vadd.f32 v5, v6;
	v1 =	vld [tilespmem:s24+$0x2030];
	[tilespmem:s22+$0x2070] =	vst v2  }
0xbc: {  	v4 =	vld [tilespmem:s23+$0xFFFFFFC0]  }
0xbd: {  	s29 =	sadd.s32 $0x80, s29;
	[tilespmem:s22+$0x2000] =	vst v5;
	v5 =	vadd.f32 v9, v8;
	v2 =	vld [tilespmem:s24+$0x2040]  }
0xbe: {  	v6 =	vld [tilespmem:s23+$0xFFFFFFD0]  }
0xbf: {  	v7 =	vld [tilespmem:s24+$0x2050]  }
0xc0: {  	v8 =	vld [tilespmem:s23+$0xFFFFFFE0]  }
0xc1: {  	v9 =	vld [tilespmem:s24+$0x2060]  }
0xc2: {  	v10 =	vld [tilespmem:s23+$0xFFFFFFF0]  }
0xc3: {  	v0 =	vadd.f32 v3, v0  }
0xc4: {  	[tilespmem:s22+$0x2010] =	vst v5;
	v1 =	vadd.f32 v4, v1  }
0xc5: {  	[tilespmem:s22+$0x2020] =	vst v0;
	v61 =	vadd.f32 v6, v2  }
0xc6: {  	[tilespmem:s22+$0x2030] =	vst v1;
	v62 =	vadd.f32 v8, v7  }
0xc7: {  	v63 =	vadd.f32 v10, v9;
	[tilespmem:s22+$0x2040] =	vst v61  }
0xc8: {  	[tilespmem:s22+$0x2050] =	vst v62  }
0xc9: {  	s20 =	sadd.s32 $0x1, s20;
	[tilespmem:s22+$0x2060] =	vst v63  }
0xca: {  	[hbm4b:s11+s2] =	stream.linear.scatter [tilespmem:s17], [sflag:$0x4], $0x2000, $0x38;
	[tilespmem:$0xA000] =	vst v63  }
0xcb: {  	p0 =	sne.s32 s20, s12;
	_ =	swait.ge [sflag:s18], $0x2000  }
.Ltmp4:
0xcc: {  	[sflag:s18] =	ssyncset.done $0x0;
	(pc) =	sbr.rel @p0 .LBB2_1-.Ltmp4, $4  }
0xcd: {  	[sflag:s18] =	ssyncadd.s32 $0xFFFFE000  }
0xce: {  	_ =	swait.ge [sflag:s19], $0x2000  }
0xcf: {  	[sflag:s19] =	ssyncset.done $0x0  }
0xd0: {  	[sflag:s19] =	ssyncadd.s32 $0xFFFFE000  }
0xd1: {  	_ =	sfence.sel $0x180000  }
0xd2: {  	[bflag:$0x0] =	sbarrier.arrive $0xFFFF  }
0xd3: {  	p0 =	sne.s32 s1, $0x0;
	_ =	strace $0x90000047  }
0xd4: {  	s0 =	sadd.s32 @!p0 $0x100000, s0;
	[bflag:$0x2] =	sbarrier.arrive $0xFFFF  }
0xd5: {  	[sflag:s0] =	ssyncadd.tile.s32 @!p0 $0x1;
	_ =	shalt  }
.Lfunc_end2:
_tile_overlayer_lowered:
.L_overlay_start_2:
0xd6: {  	(tag) =	ssettag $0x2  }
0xd7: {  	s0 =	rddreg [dreg:$0x0];
	s2 =	stileid.u32  }
0xd8: {  	s1 =	rddreg [dreg:$0x1];
	p0 =	sne.s32 s2, $0x0  }
0xd9: {  	s3 =	rddreg [dreg:$0x2];
	[bflag:$0x3] =	sbarrier.arrive $0xFFFF;
	s2 =	simm.s32 @!p0 $0x1C05  }
0xda: {  	[timem:s3], [sflag:s2] =	dma.local @!p0 [hbm:s0], s1  }
0xdb: {  	s0 =	simm.s32 @!p0 $0x5  }
0xdc: {  	_ =	swait.ge @!p0 [sflag:s0], s1  }
0xdd: {  	s1 =	ssub.s32 @!p0 $0x0, s1;
	[sflag:s0] =	ssyncset.done @!p0 $0x0  }
0xde: {  	[sflag:s0] =	ssyncadd.s32 @!p0 s1  }
0xdf: {  	[bflag:$0x3] =	sbarrier.arrive $0xFFFF  }
0xe0: {  	_ =	shalt  }

</sc_bundles>
